<compile_context>
chip_gen: v7x
topology: tpu7x:2x2x1
jax: 0.10.2.dev20260603
libtpu: 0.0.44.dev20260713+nightly
codegen_flags: <defaults>
</compile_context>

<pallas_src>
import functools

import jax
import jax.numpy as jnp
from jax import lax
from jax.experimental import pallas as pl
from jax.experimental.pallas import tpu as pltpu
from jax.experimental.pallas import tpu_sc as plsc

VOCAB = 1024
D = 128
BATCH = 16384
SEQ = 200
B = BATCH * SEQ

NC = 2
NS = 16
NW = NC * NS
BPW = B // NW

CH = 128
NCHUNK = BPW // CH
NBUF = 4

_mesh = plsc.VectorSubcoreMesh(core_axis_name="c", subcore_axis_name="s")


@functools.partial(
    pl.kernel,
    mesh=_mesh,
    out_type=jax.ShapeDtypeStruct((B, D), jnp.float32),
    scratch_types=[
        pltpu.VMEM((NBUF, 1, CH), jnp.int32),
        pltpu.VMEM((NBUF, CH, D), jnp.float32),
        pltpu.VMEM_SHARED((VOCAB, D), jnp.float32),
        pltpu.SemaphoreType.DMA,
        pltpu.SemaphoreType.DMA,
        pltpu.SemaphoreType.DMA,
    ],
)
def _sc_gather(idx_hbm, table_hbm, out_hbm, idx_v, rows_v, tab_sh,
               sem_i, sem_g, sem_w):
    sid = lax.axis_index("s")
    wid = sid * NC + lax.axis_index("c")
    row0 = wid * NCHUNK

    rpt = VOCAB // NS
    pltpu.sync_copy(
        table_hbm.at[pl.ds(sid * rpt, rpt)], tab_sh.at[pl.ds(sid * rpt, rpt)]
    )
    plsc.subcore_barrier()

    def idx_load(i, b):
        pltpu.async_copy(idx_hbm.at[pl.ds(row0 + i, 1)], idx_v.at[b], sem_i)

    def idx_wait(b):
        pltpu.make_async_copy(
            idx_hbm.at[pl.ds(0, 1)], idx_v.at[b], sem_i
        ).wait()

    def gather_fire(b):
        pltpu.async_copy(tab_sh.at[idx_v.at[b, 0]], rows_v.at[b], sem_g)

    def gather_wait(b):
        pltpu.make_async_copy(
            table_hbm.at[pl.ds(0, CH)], rows_v.at[b], sem_g
        ).wait()

    def write_fire(i, b):
        pltpu.async_copy(
            rows_v.at[b], out_hbm.at[pl.ds((row0 + i) * CH, CH)], sem_w
        )

    def write_drain(b):
        pltpu.make_async_copy(
            rows_v.at[b], out_hbm.at[pl.ds(0, CH)], sem_w
        ).wait()

    def step(i, b, bn, drain, fire_next, load_ahead):
        if drain:
            write_drain(bn)
        if fire_next:
            idx_wait(bn)
            gather_fire(bn)
        gather_wait(b)
        write_fire(i, b)
        if load_ahead:
            idx_load(i + NBUF, b)

    for b in range(NBUF):
        idx_load(b, b)
    idx_wait(0)
    gather_fire(0)
    for i in range(NBUF - 1):
        step(i, i % NBUF, (i + 1) % NBUF,
             drain=False, fire_next=True, load_ahead=True)

    NSTEADY = (NCHUNK - 2 * NBUF) // NBUF

    def body(io, carry):
        for u in range(NBUF):
            i = io * NBUF + u + (NBUF - 1)
            b = (u + NBUF - 1) % NBUF
            step(i, b, (b + 1) % NBUF,
                 drain=True, fire_next=True, load_ahead=True)
        return carry

    lax.fori_loop(0, NSTEADY, body, 0)

    for i in range(NCHUNK - NBUF - 1, NCHUNK - 1):
        step(i, i % NBUF, (i + 1) % NBUF,
             drain=True,
             fire_next=True,
             load_ahead=(i + NBUF <= NCHUNK - 1))
    i = NCHUNK - 1
    write_drain((i + 1) % NBUF)
    gather_wait(i % NBUF)
    write_fire(i, i % NBUF)
    for u in range(NBUF - 1):
        write_drain((i + 2 + u) % NBUF)


def kernel(input_ids, table):
    ids_flat = input_ids.reshape(-1).astype(jnp.int32)
    idx2 = ids_flat.reshape(B // CH, CH)
    out = _sc_gather(idx2, table)
    return out.reshape(BATCH, SEQ, D), input_ids

# --- scband reference (transcript-rebuilt; emitter-appended) ---
"""Pipeline reference for scband-raw-int-output-23227183137108 (READ-ONLY COPY).

The authoritative reference and input builder live on the scoring server;
editing this copy changes nothing except your own understanding.
"""

import jax, jax.numpy as jnp
import numpy as np

VOCAB = 1024
EMBED_DIM = 128
BATCH = 16384
SEQ = 200


def setup_inputs(seed: int = 0) -> dict:
    key = jax.random.key(seed)
    k_idx, k_tab = jax.random.split(key)
    input_ids = jax.random.randint(k_idx, (BATCH, SEQ), 0, VOCAB, dtype=jnp.int64 if jax.config.read('jax_enable_x64') else jnp.int32)
    table = jax.random.normal(k_tab, (VOCAB, EMBED_DIM), dtype=jnp.float32)
    return {"input_ids": input_ids, "table": table}


def reference(input_ids, table):
    seq_length = input_ids.shape[-1]
    input_ids = input_ids[:, :seq_length]
    emb = jnp.take(table, input_ids, axis=0)
    return (emb, input_ids)

if __name__ == "__main__":
    import jax
    _d = setup_inputs()
    print(jax.jit(kernel)(*tuple(_d.values())))

</pallas_src>

<mosaic_0001>
#map = affine_map<(d0, d1) -> (0, 0)>
module attributes {stable_mosaic.version = 14 : i64} {
  func.func @_sc_gather(%arg0: i32, %arg1: i32, %arg2: memref<25600x128xi32, #tpu.memory_space<hbm>>, %arg3: memref<1024x128xf32, #tpu.memory_space<hbm>>, %arg4: memref<3276800x128xf32, #tpu.memory_space<hbm>>, %arg5: memref<4x1x128xi32, #tpu.memory_space<vmem>>, %arg6: memref<4x128x128xf32, #tpu.memory_space<vmem>>, %arg7: memref<1024x128xf32, #tpu.memory_space<vmem_shared>>, %arg8: memref<!tpu.dma_semaphore, #tpu.memory_space<semaphore_mem>>, %arg9: memref<!tpu.dma_semaphore, #tpu.memory_space<semaphore_mem>>, %arg10: memref<!tpu.dma_semaphore, #tpu.memory_space<semaphore_mem>>) attributes {dimension_semantics = [#tpu.dimension_semantics<core_parallel>, #tpu.dimension_semantics<subcore_parallel>], iteration_bounds = array<i64: 2, 16>, scalar_prefetch = 0 : i64, scratch_operands = 6 : i64, tpu.core_type = #tpu.core_type<sc_vector_subcore>, window_params = [{transform_indices = #map}, {transform_indices = #map}, {transform_indices = #map}]} {
    %mul3A = arith.constant 2 : i32
    %mul3A_0 = arith.muli %arg1, %mul3A : i32
    %add3A = arith.addi %mul3A_0, %arg0 : i32
    %mul3A_1 = arith.constant 800 : i32
    %mul3A_2 = arith.muli %add3A, %mul3A_1 : i32
    %mul3A_3 = arith.constant 64 : i32
    %mul3A_4 = arith.muli %arg1, %mul3A_3 : i32
    %mul3A_5 = arith.constant 64 : i32
    %mul3A_6 = arith.muli %arg1, %mul3A_5 : i32
    "tpu.region"() ({
      %run_scoped3A = tpu.sem_alloc : memref<!tpu.dma_semaphore, #tpu.memory_space<semaphore_mem>>
      %dma_start3A_730 = arith.constant 0 : i32
      %dma_start3A_731 = tpu.memref_slice %arg7[%mul3A_6, %dma_start3A_730] : memref<1024x128xf32, #tpu.memory_space<vmem_shared>> -> memref<64x128xf32, #tpu.memory_space<vmem_shared>>
      %dma_start3A_732 = arith.constant 0 : i32
      %dma_start3A_733 = tpu.memref_slice %arg3[%mul3A_4, %dma_start3A_732] : memref<1024x128xf32, #tpu.memory_space<hbm>> -> memref<64x128xf32, #tpu.memory_space<hbm>>
      tpu.enqueue_dma source(%dma_start3A_733 : memref<64x128xf32, #tpu.memory_space<hbm>>) target(%dma_start3A_731 : memref<64x128xf32, #tpu.memory_space<vmem_shared>>) target_semaphore(%run_scoped3A : memref<!tpu.dma_semaphore, #tpu.memory_space<semaphore_mem>>)
      %dma_wait3A_734 = arith.constant 0 : i32
      %dma_wait3A_735 = tpu.memref_slice %arg7[%mul3A_6, %dma_wait3A_734] : memref<1024x128xf32, #tpu.memory_space<vmem_shared>> -> memref<64x128xf32, #tpu.memory_space<vmem_shared>>
      %dma_wait3A_736 = arith.constant 0 : i32
      %dma_wait3A_737 = tpu.memref_slice %arg3[%mul3A_4, %dma_wait3A_736] : memref<1024x128xf32, #tpu.memory_space<hbm>> -> memref<64x128xf32, #tpu.memory_space<hbm>>
      tpu.wait_dma2 semaphore(%run_scoped3A : memref<!tpu.dma_semaphore, #tpu.memory_space<semaphore_mem>>) src(%dma_wait3A_737 : memref<64x128xf32, #tpu.memory_space<hbm>>) dst(%dma_wait3A_735 : memref<64x128xf32, #tpu.memory_space<vmem_shared>>)
      tpu.yield
    }) : () -> ()
    %barrier3A = arith.constant 0 : index
    tpu.barrier barrier_id(%barrier3A)
    %add3A_7 = arith.constant 0 : i32
    %add3A_8 = arith.addi %mul3A_2, %add3A_7 : i32
    %dma_start3A = arith.constant 0 : i32
    %dma_start3A_9 = arith.constant 0 : i32
    %dma_start3A_10 = arith.constant 0 : i32
    %dma_start3A_11 = tpu.memref_slice %arg5[%dma_start3A, %dma_start3A_9, %dma_start3A_10] : memref<4x1x128xi32, #tpu.memory_space<vmem>> -> memref<1x1x128xi32, #tpu.memory_space<vmem>>
    %dma_start3A_12 = tpu.memref_squeeze %dma_start3A_11 : memref<1x1x128xi32, #tpu.memory_space<vmem>> -> memref<1x128xi32, #tpu.memory_space<vmem>>
    %dma_start3A_13 = arith.constant 0 : i32
    %dma_start3A_14 = tpu.memref_slice %arg2[%add3A_8, %dma_start3A_13] : memref<25600x128xi32, #tpu.memory_space<hbm>> -> memref<1x128xi32, #tpu.memory_space<hbm>>
    %dma_start3A_15 = arith.constant 0 : i32
    %dma_start3A_16 = arith.constant 0 : i32
    %dma_start3A_17 = tpu.memref_slice %arg5[%dma_start3A, %dma_start3A_15, %dma_start3A_16] : memref<4x1x128xi32, #tpu.memory_space<vmem>> -> memref<1x1x128xi32, #tpu.memory_space<vmem>>
    %dma_start3A_18 = tpu.memref_squeeze %dma_start3A_17 : memref<1x1x128xi32, #tpu.memory_space<vmem>> -> memref<1x128xi32, #tpu.memory_space<vmem>>
    %dma_start3A_19 = arith.constant 0 : i32
    %dma_start3A_20 = tpu.memref_slice %arg2[%add3A_8, %dma_start3A_19] : memref<25600x128xi32, #tpu.memory_space<hbm>> -> memref<1x128xi32, #tpu.memory_space<hbm>>
    tpu.enqueue_dma source(%dma_start3A_20 : memref<1x128xi32, #tpu.memory_space<hbm>>) target(%dma_start3A_18 : memref<1x128xi32, #tpu.memory_space<vmem>>) target_semaphore(%arg8 : memref<!tpu.dma_semaphore, #tpu.memory_space<semaphore_mem>>)
    %add3A_21 = arith.constant 1 : i32
    %add3A_22 = arith.addi %mul3A_2, %add3A_21 : i32
    %dma_start3A_23 = arith.constant 1 : i32
    %dma_start3A_24 = arith.constant 0 : i32
    %dma_start3A_25 = arith.constant 0 : i32
    %dma_start3A_26 = tpu.memref_slice %arg5[%dma_start3A_23, %dma_start3A_24, %dma_start3A_25] : memref<4x1x128xi32, #tpu.memory_space<vmem>> -> memref<1x1x128xi32, #tpu.memory_space<vmem>>
    %dma_start3A_27 = tpu.memref_squeeze %dma_start3A_26 : memref<1x1x128xi32, #tpu.memory_space<vmem>> -> memref<1x128xi32, #tpu.memory_space<vmem>>
    %dma_start3A_28 = arith.constant 0 : i32
    %dma_start3A_29 = tpu.memref_slice %arg2[%add3A_22, %dma_start3A_28] : memref<25600x128xi32, #tpu.memory_space<hbm>> -> memref<1x128xi32, #tpu.memory_space<hbm>>
    %dma_start3A_30 = arith.constant 0 : i32
    %dma_start3A_31 = arith.constant 0 : i32
    %dma_start3A_32 = tpu.memref_slice %arg5[%dma_start3A_23, %dma_start3A_30, %dma_start3A_31] : memref<4x1x128xi32, #tpu.memory_space<vmem>> -> memref<1x1x128xi32, #tpu.memory_space<vmem>>
    %dma_start3A_33 = tpu.memref_squeeze %dma_start3A_32 : memref<1x1x128xi32, #tpu.memory_space<vmem>> -> memref<1x128xi32, #tpu.memory_space<vmem>>
    %dma_start3A_34 = arith.constant 0 : i32
    %dma_start3A_35 = tpu.memref_slice %arg2[%add3A_22, %dma_start3A_34] : memref<25600x128xi32, #tpu.memory_space<hbm>> -> memref<1x128xi32, #tpu.memory_space<hbm>>
    tpu.enqueue_dma source(%dma_start3A_35 : memref<1x128xi32, #tpu.memory_space<hbm>>) target(%dma_start3A_33 : memref<1x128xi32, #tpu.memory_space<vmem>>) target_semaphore(%arg8 : memref<!tpu.dma_semaphore, #tpu.memory_space<semaphore_mem>>)
    %add3A_36 = arith.constant 2 : i32
    %add3A_37 = arith.addi %mul3A_2, %add3A_36 : i32
    %dma_start3A_38 = arith.constant 2 : i32
    %dma_start3A_39 = arith.constant 0 : i32
    %dma_start3A_40 = arith.constant 0 : i32
    %dma_start3A_41 = tpu.memref_slice %arg5[%dma_start3A_38, %dma_start3A_39, %dma_start3A_40] : memref<4x1x128xi32, #tpu.memory_space<vmem>> -> memref<1x1x128xi32, #tpu.memory_space<vmem>>
    %dma_start3A_42 = tpu.memref_squeeze %dma_start3A_41 : memref<1x1x128xi32, #tpu.memory_space<vmem>> -> memref<1x128xi32, #tpu.memory_space<vmem>>
    %dma_start3A_43 = arith.constant 0 : i32
    %dma_start3A_44 = tpu.memref_slice %arg2[%add3A_37, %dma_start3A_43] : memref<25600x128xi32, #tpu.memory_space<hbm>> -> memref<1x128xi32, #tpu.memory_space<hbm>>
    %dma_start3A_45 = arith.constant 0 : i32
    %dma_start3A_46 = arith.constant 0 : i32
    %dma_start3A_47 = tpu.memref_slice %arg5[%dma_start3A_38, %dma_start3A_45, %dma_start3A_46] : memref<4x1x128xi32, #tpu.memory_space<vmem>> -> memref<1x1x128xi32, #tpu.memory_space<vmem>>
    %dma_start3A_48 = tpu.memref_squeeze %dma_start3A_47 : memref<1x1x128xi32, #tpu.memory_space<vmem>> -> memref<1x128xi32, #tpu.memory_space<vmem>>
    %dma_start3A_49 = arith.constant 0 : i32
    %dma_start3A_50 = tpu.memref_slice %arg2[%add3A_37, %dma_start3A_49] : memref<25600x128xi32, #tpu.memory_space<hbm>> -> memref<1x128xi32, #tpu.memory_space<hbm>>
    tpu.enqueue_dma source(%dma_start3A_50 : memref<1x128xi32, #tpu.memory_space<hbm>>) target(%dma_start3A_48 : memref<1x128xi32, #tpu.memory_space<vmem>>) target_semaphore(%arg8 : memref<!tpu.dma_semaphore, #tpu.memory_space<semaphore_mem>>)
    %add3A_51 = arith.constant 3 : i32
    %add3A_52 = arith.addi %mul3A_2, %add3A_51 : i32
    %dma_start3A_53 = arith.constant 3 : i32
    %dma_start3A_54 = arith.constant 0 : i32
    %dma_start3A_55 = arith.constant 0 : i32
    %dma_start3A_56 = tpu.memref_slice %arg5[%dma_start3A_53, %dma_start3A_54, %dma_start3A_55] : memref<4x1x128xi32, #tpu.memory_space<vmem>> -> memref<1x1x128xi32, #tpu.memory_space<vmem>>
    %dma_start3A_57 = tpu.memref_squeeze %dma_start3A_56 : memref<1x1x128xi32, #tpu.memory_space<vmem>> -> memref<1x128xi32, #tpu.memory_space<vmem>>
    %dma_start3A_58 = arith.constant 0 : i32
    %dma_start3A_59 = tpu.memref_slice %arg2[%add3A_52, %dma_start3A_58] : memref<25600x128xi32, #tpu.memory_space<hbm>> -> memref<1x128xi32, #tpu.memory_space<hbm>>
    %dma_start3A_60 = arith.constant 0 : i32
    %dma_start3A_61 = arith.constant 0 : i32
    %dma_start3A_62 = tpu.memref_slice %arg5[%dma_start3A_53, %dma_start3A_60, %dma_start3A_61] : memref<4x1x128xi32, #tpu.memory_space<vmem>> -> memref<1x1x128xi32, #tpu.memory_space<vmem>>
    %dma_start3A_63 = tpu.memref_squeeze %dma_start3A_62 : memref<1x1x128xi32, #tpu.memory_space<vmem>> -> memref<1x128xi32, #tpu.memory_space<vmem>>
    %dma_start3A_64 = arith.constant 0 : i32
    %dma_start3A_65 = tpu.memref_slice %arg2[%add3A_52, %dma_start3A_64] : memref<25600x128xi32, #tpu.memory_space<hbm>> -> memref<1x128xi32, #tpu.memory_space<hbm>>
    tpu.enqueue_dma source(%dma_start3A_65 : memref<1x128xi32, #tpu.memory_space<hbm>>) target(%dma_start3A_63 : memref<1x128xi32, #tpu.memory_space<vmem>>) target_semaphore(%arg8 : memref<!tpu.dma_semaphore, #tpu.memory_space<semaphore_mem>>)
    %dma_wait3A = arith.constant 0 : i32
    %dma_wait3A_66 = arith.constant 0 : i32
    %dma_wait3A_67 = arith.constant 0 : i32
    %dma_wait3A_68 = tpu.memref_slice %arg5[%dma_wait3A, %dma_wait3A_66, %dma_wait3A_67] : memref<4x1x128xi32, #tpu.memory_space<vmem>> -> memref<1x1x128xi32, #tpu.memory_space<vmem>>
    %dma_wait3A_69 = tpu.memref_squeeze %dma_wait3A_68 : memref<1x1x128xi32, #tpu.memory_space<vmem>> -> memref<1x128xi32, #tpu.memory_space<vmem>>
    %dma_wait3A_70 = arith.constant 0 : i32
    %dma_wait3A_71 = arith.constant 0 : i32
    %dma_wait3A_72 = tpu.memref_slice %arg2[%dma_wait3A_70, %dma_wait3A_71] : memref<25600x128xi32, #tpu.memory_space<hbm>> -> memref<1x128xi32, #tpu.memory_space<hbm>>
    %dma_wait3A_73 = arith.constant 0 : i32
    %dma_wait3A_74 = arith.constant 0 : i32
    %dma_wait3A_75 = tpu.memref_slice %arg5[%dma_wait3A, %dma_wait3A_73, %dma_wait3A_74] : memref<4x1x128xi32, #tpu.memory_space<vmem>> -> memref<1x1x128xi32, #tpu.memory_space<vmem>>
    %dma_wait3A_76 = tpu.memref_squeeze %dma_wait3A_75 : memref<1x1x128xi32, #tpu.memory_space<vmem>> -> memref<1x128xi32, #tpu.memory_space<vmem>>
    %dma_wait3A_77 = arith.constant 0 : i32
    %dma_wait3A_78 = arith.constant 0 : i32
    %dma_wait3A_79 = tpu.memref_slice %arg2[%dma_wait3A_77, %dma_wait3A_78] : memref<25600x128xi32, #tpu.memory_space<hbm>> -> memref<1x128xi32, #tpu.memory_space<hbm>>
    tpu.wait_dma2 semaphore(%arg8 : memref<!tpu.dma_semaphore, #tpu.memory_space<semaphore_mem>>) src(%dma_wait3A_79 : memref<1x128xi32, #tpu.memory_space<hbm>>) dst(%dma_wait3A_76 : memref<1x128xi32, #tpu.memory_space<vmem>>)
    %dma_start3A_80 = arith.constant 0 : i32
    %dma_start3A_81 = arith.constant 0 : i32
    %dma_start3A_82 = arith.constant 0 : i32
    %dma_start3A_83 = arith.constant 0 : i32
    %dma_start3A_84 = arith.constant 0 : i32
    %dma_start3A_85 = tpu.memref_slice %arg6[%dma_start3A_82, %dma_start3A_83, %dma_start3A_84] : memref<4x128x128xf32, #tpu.memory_space<vmem>> -> memref<1x128x128xf32, #tpu.memory_space<vmem>>
    %dma_start3A_86 = tpu.memref_squeeze %dma_start3A_85 : memref<1x128x128xf32, #tpu.memory_space<vmem>> -> memref<128x128xf32, #tpu.memory_space<vmem>>
    %dma_start3A_87 = arith.constant 0 : i32
    %dma_start3A_88 = tpu.memref_slice %arg5[%dma_start3A_80, %dma_start3A_81, %dma_start3A_87] : memref<4x1x128xi32, #tpu.memory_space<vmem>> -> memref<1x1x128xi32, #tpu.memory_space<vmem>>
    %dma_start3A_89 = tpu.memref_squeeze %dma_start3A_88 : memref<1x1x128xi32, #tpu.memory_space<vmem>> -> memref<128xi32, #tpu.memory_space<vmem>>
    %dma_start3A_90 = arith.constant 0 : i32
    %dma_start3A_91 = arith.constant 0 : i32
    %dma_start3A_92 = tpu.memref_slice %arg7[%dma_start3A_90, %dma_start3A_91] : memref<1024x128xf32, #tpu.memory_space<vmem_shared>> -> memref<1024x128xf32, #tpu.memory_space<vmem_shared>>
    tpu.enqueue_indirect_dma source(%dma_start3A_92 : memref<1024x128xf32, #tpu.memory_space<vmem_shared>>) target(%dma_start3A_86 : memref<128x128xf32, #tpu.memory_space<vmem>>) offsets(%dma_start3A_89 : memref<128xi32, #tpu.memory_space<vmem>>) semaphore(%arg9 : memref<!tpu.dma_semaphore, #tpu.memory_space<semaphore_mem>>)
    %dma_wait3A_93 = arith.constant 1 : i32
    %dma_wait3A_94 = arith.constant 0 : i32
    %dma_wait3A_95 = arith.constant 0 : i32
    %dma_wait3A_96 = tpu.memref_slice %arg5[%dma_wait3A_93, %dma_wait3A_94, %dma_wait3A_95] : memref<4x1x128xi32, #tpu.memory_space<vmem>> -> memref<1x1x128xi32, #tpu.memory_space<vmem>>
    %dma_wait3A_97 = tpu.memref_squeeze %dma_wait3A_96 : memref<1x1x128xi32, #tpu.memory_space<vmem>> -> memref<1x128xi32, #tpu.memory_space<vmem>>
    %dma_wait3A_98 = arith.constant 0 : i32
    %dma_wait3A_99 = arith.constant 0 : i32
    %dma_wait3A_100 = tpu.memref_slice %arg2[%dma_wait3A_98, %dma_wait3A_99] : memref<25600x128xi32, #tpu.memory_space<hbm>> -> memref<1x128xi32, #tpu.memory_space<hbm>>
    %dma_wait3A_101 = arith.constant 0 : i32
    %dma_wait3A_102 = arith.constant 0 : i32
    %dma_wait3A_103 = tpu.memref_slice %arg5[%dma_wait3A_93, %dma_wait3A_101, %dma_wait3A_102] : memref<4x1x128xi32, #tpu.memory_space<vmem>> -> memref<1x1x128xi32, #tpu.memory_space<vmem>>
    %dma_wait3A_104 = tpu.memref_squeeze %dma_wait3A_103 : memref<1x1x128xi32, #tpu.memory_space<vmem>> -> memref<1x128xi32, #tpu.memory_space<vmem>>
    %dma_wait3A_105 = arith.constant 0 : i32
    %dma_wait3A_106 = arith.constant 0 : i32
    %dma_wait3A_107 = tpu.memref_slice %arg2[%dma_wait3A_105, %dma_wait3A_106] : memref<25600x128xi32, #tpu.memory_space<hbm>> -> memref<1x128xi32, #tpu.memory_space<hbm>>
    tpu.wait_dma2 semaphore(%arg8 : memref<!tpu.dma_semaphore, #tpu.memory_space<semaphore_mem>>) src(%dma_wait3A_107 : memref<1x128xi32, #tpu.memory_space<hbm>>) dst(%dma_wait3A_104 : memref<1x128xi32, #tpu.memory_space<vmem>>)
    %dma_start3A_108 = arith.constant 1 : i32
    %dma_start3A_109 = arith.constant 0 : i32
    %dma_start3A_110 = arith.constant 1 : i32
    %dma_start3A_111 = arith.constant 0 : i32
    %dma_start3A_112 = arith.constant 0 : i32
    %dma_start3A_113 = tpu.memref_slice %arg6[%dma_start3A_110, %dma_start3A_111, %dma_start3A_112] : memref<4x128x128xf32, #tpu.memory_space<vmem>> -> memref<1x128x128xf32, #tpu.memory_space<vmem>>
    %dma_start3A_114 = tpu.memref_squeeze %dma_start3A_113 : memref<1x128x128xf32, #tpu.memory_space<vmem>> -> memref<128x128xf32, #tpu.memory_space<vmem>>
    %dma_start3A_115 = arith.constant 0 : i32
    %dma_start3A_116 = tpu.memref_slice %arg5[%dma_start3A_108, %dma_start3A_109, %dma_start3A_115] : memref<4x1x128xi32, #tpu.memory_space<vmem>> -> memref<1x1x128xi32, #tpu.memory_space<vmem>>
    %dma_start3A_117 = tpu.memref_squeeze %dma_start3A_116 : memref<1x1x128xi32, #tpu.memory_space<vmem>> -> memref<128xi32, #tpu.memory_space<vmem>>
    %dma_start3A_118 = arith.constant 0 : i32
    %dma_start3A_119 = arith.constant 0 : i32
    %dma_start3A_120 = tpu.memref_slice %arg7[%dma_start3A_118, %dma_start3A_119] : memref<1024x128xf32, #tpu.memory_space<vmem_shared>> -> memref<1024x128xf32, #tpu.memory_space<vmem_shared>>
    tpu.enqueue_indirect_dma source(%dma_start3A_120 : memref<1024x128xf32, #tpu.memory_space<vmem_shared>>) target(%dma_start3A_114 : memref<128x128xf32, #tpu.memory_space<vmem>>) offsets(%dma_start3A_117 : memref<128xi32, #tpu.memory_space<vmem>>) semaphore(%arg9 : memref<!tpu.dma_semaphore, #tpu.memory_space<semaphore_mem>>)
    %dma_wait3A_121 = arith.constant 0 : i32
    %dma_wait3A_122 = arith.constant 0 : i32
    %dma_wait3A_123 = arith.constant 0 : i32
    %dma_wait3A_124 = tpu.memref_slice %arg6[%dma_wait3A_121, %dma_wait3A_122, %dma_wait3A_123] : memref<4x128x128xf32, #tpu.memory_space<vmem>> -> memref<1x128x128xf32, #tpu.memory_space<vmem>>
    %dma_wait3A_125 = tpu.memref_squeeze %dma_wait3A_124 : memref<1x128x128xf32, #tpu.memory_space<vmem>> -> memref<128x128xf32, #tpu.memory_space<vmem>>
    %dma_wait3A_126 = arith.constant 0 : i32
    %dma_wait3A_127 = arith.constant 0 : i32
    %dma_wait3A_128 = tpu.memref_slice %arg3[%dma_wait3A_126, %dma_wait3A_127] : memref<1024x128xf32, #tpu.memory_space<hbm>> -> memref<128x128xf32, #tpu.memory_space<hbm>>
    %dma_wait3A_129 = arith.constant 0 : i32
    %dma_wait3A_130 = arith.constant 0 : i32
    %dma_wait3A_131 = tpu.memref_slice %arg6[%dma_wait3A_121, %dma_wait3A_129, %dma_wait3A_130] : memref<4x128x128xf32, #tpu.memory_space<vmem>> -> memref<1x128x128xf32, #tpu.memory_space<vmem>>
    %dma_wait3A_132 = tpu.memref_squeeze %dma_wait3A_131 : memref<1x128x128xf32, #tpu.memory_space<vmem>> -> memref<128x128xf32, #tpu.memory_space<vmem>>
    %dma_wait3A_133 = arith.constant 0 : i32
    %dma_wait3A_134 = arith.constant 0 : i32
    %dma_wait3A_135 = tpu.memref_slice %arg3[%dma_wait3A_133, %dma_wait3A_134] : memref<1024x128xf32, #tpu.memory_space<hbm>> -> memref<128x128xf32, #tpu.memory_space<hbm>>
    tpu.wait_dma2 semaphore(%arg9 : memref<!tpu.dma_semaphore, #tpu.memory_space<semaphore_mem>>) src(%dma_wait3A_135 : memref<128x128xf32, #tpu.memory_space<hbm>>) dst(%dma_wait3A_132 : memref<128x128xf32, #tpu.memory_space<vmem>>)
    %add3A_136 = arith.constant 0 : i32
    %add3A_137 = arith.addi %mul3A_2, %add3A_136 : i32
    %mul3A_138 = arith.constant 128 : i32
    %mul3A_139 = arith.muli %add3A_137, %mul3A_138 : i32
    %dma_start3A_140 = arith.constant 0 : i32
    %dma_start3A_141 = arith.constant 0 : i32
    %dma_start3A_142 = arith.constant 0 : i32
    %dma_start3A_143 = tpu.memref_slice %arg6[%dma_start3A_140, %dma_start3A_141, %dma_start3A_142] : memref<4x128x128xf32, #tpu.memory_space<vmem>> -> memref<1x128x128xf32, #tpu.memory_space<vmem>>
    %dma_start3A_144 = tpu.memref_squeeze %dma_start3A_143 : memref<1x128x128xf32, #tpu.memory_space<vmem>> -> memref<128x128xf32, #tpu.memory_space<vmem>>
    %dma_start3A_145 = arith.constant 0 : i32
    %dma_start3A_146 = tpu.memref_slice %arg4[%mul3A_139, %dma_start3A_145] : memref<3276800x128xf32, #tpu.memory_space<hbm>> -> memref<128x128xf32, #tpu.memory_space<hbm>>
    %dma_start3A_147 = arith.constant 0 : i32
    %dma_start3A_148 = tpu.memref_slice %arg4[%mul3A_139, %dma_start3A_147] : memref<3276800x128xf32, #tpu.memory_space<hbm>> -> memref<128x128xf32, #tpu.memory_space<hbm>>
    %dma_start3A_149 = arith.constant 0 : i32
    %dma_start3A_150 = arith.constant 0 : i32
    %dma_start3A_151 = tpu.memref_slice %arg6[%dma_start3A_140, %dma_start3A_149, %dma_start3A_150] : memref<4x128x128xf32, #tpu.memory_space<vmem>> -> memref<1x128x128xf32, #tpu.memory_space<vmem>>
    %dma_start3A_152 = tpu.memref_squeeze %dma_start3A_151 : memref<1x128x128xf32, #tpu.memory_space<vmem>> -> memref<128x128xf32, #tpu.memory_space<vmem>>
    tpu.enqueue_dma source(%dma_start3A_152 : memref<128x128xf32, #tpu.memory_space<vmem>>) target(%dma_start3A_148 : memref<128x128xf32, #tpu.memory_space<hbm>>) target_semaphore(%arg10 : memref<!tpu.dma_semaphore, #tpu.memory_space<semaphore_mem>>)
    %add3A_153 = arith.constant 4 : i32
    %add3A_154 = arith.addi %mul3A_2, %add3A_153 : i32
    %dma_start3A_155 = arith.constant 0 : i32
    %dma_start3A_156 = arith.constant 0 : i32
    %dma_start3A_157 = arith.constant 0 : i32
    %dma_start3A_158 = tpu.memref_slice %arg5[%dma_start3A_155, %dma_start3A_156, %dma_start3A_157] : memref<4x1x128xi32, #tpu.memory_space<vmem>> -> memref<1x1x128xi32, #tpu.memory_space<vmem>>
    %dma_start3A_159 = tpu.memref_squeeze %dma_start3A_158 : memref<1x1x128xi32, #tpu.memory_space<vmem>> -> memref<1x128xi32, #tpu.memory_space<vmem>>
    %dma_start3A_160 = arith.constant 0 : i32
    %dma_start3A_161 = tpu.memref_slice %arg2[%add3A_154, %dma_start3A_160] : memref<25600x128xi32, #tpu.memory_space<hbm>> -> memref<1x128xi32, #tpu.memory_space<hbm>>
    %dma_start3A_162 = arith.constant 0 : i32
    %dma_start3A_163 = arith.constant 0 : i32
    %dma_start3A_164 = tpu.memref_slice %arg5[%dma_start3A_155, %dma_start3A_162, %dma_start3A_163] : memref<4x1x128xi32, #tpu.memory_space<vmem>> -> memref<1x1x128xi32, #tpu.memory_space<vmem>>
    %dma_start3A_165 = tpu.memref_squeeze %dma_start3A_164 : memref<1x1x128xi32, #tpu.memory_space<vmem>> -> memref<1x128xi32, #tpu.memory_space<vmem>>
    %dma_start3A_166 = arith.constant 0 : i32
    %dma_start3A_167 = tpu.memref_slice %arg2[%add3A_154, %dma_start3A_166] : memref<25600x128xi32, #tpu.memory_space<hbm>> -> memref<1x128xi32, #tpu.memory_space<hbm>>
    tpu.enqueue_dma source(%dma_start3A_167 : memref<1x128xi32, #tpu.memory_space<hbm>>) target(%dma_start3A_165 : memref<1x128xi32, #tpu.memory_space<vmem>>) target_semaphore(%arg8 : memref<!tpu.dma_semaphore, #tpu.memory_space<semaphore_mem>>)
    %dma_wait3A_168 = arith.constant 2 : i32
    %dma_wait3A_169 = arith.constant 0 : i32
    %dma_wait3A_170 = arith.constant 0 : i32
    %dma_wait3A_171 = tpu.memref_slice %arg5[%dma_wait3A_168, %dma_wait3A_169, %dma_wait3A_170] : memref<4x1x128xi32, #tpu.memory_space<vmem>> -> memref<1x1x128xi32, #tpu.memory_space<vmem>>
    %dma_wait3A_172 = tpu.memref_squeeze %dma_wait3A_171 : memref<1x1x128xi32, #tpu.memory_space<vmem>> -> memref<1x128xi32, #tpu.memory_space<vmem>>
    %dma_wait3A_173 = arith.constant 0 : i32
    %dma_wait3A_174 = arith.constant 0 : i32
    %dma_wait3A_175 = tpu.memref_slice %arg2[%dma_wait3A_173, %dma_wait3A_174] : memref<25600x128xi32, #tpu.memory_space<hbm>> -> memref<1x128xi32, #tpu.memory_space<hbm>>
    %dma_wait3A_176 = arith.constant 0 : i32
    %dma_wait3A_177 = arith.constant 0 : i32
    %dma_wait3A_178 = tpu.memref_slice %arg5[%dma_wait3A_168, %dma_wait3A_176, %dma_wait3A_177] : memref<4x1x128xi32, #tpu.memory_space<vmem>> -> memref<1x1x128xi32, #tpu.memory_space<vmem>>
    %dma_wait3A_179 = tpu.memref_squeeze %dma_wait3A_178 : memref<1x1x128xi32, #tpu.memory_space<vmem>> -> memref<1x128xi32, #tpu.memory_space<vmem>>
    %dma_wait3A_180 = arith.constant 0 : i32
    %dma_wait3A_181 = arith.constant 0 : i32
    %dma_wait3A_182 = tpu.memref_slice %arg2[%dma_wait3A_180, %dma_wait3A_181] : memref<25600x128xi32, #tpu.memory_space<hbm>> -> memref<1x128xi32, #tpu.memory_space<hbm>>
    tpu.wait_dma2 semaphore(%arg8 : memref<!tpu.dma_semaphore, #tpu.memory_space<semaphore_mem>>) src(%dma_wait3A_182 : memref<1x128xi32, #tpu.memory_space<hbm>>) dst(%dma_wait3A_179 : memref<1x128xi32, #tpu.memory_space<vmem>>)
    %dma_start3A_183 = arith.constant 2 : i32
    %dma_start3A_184 = arith.constant 0 : i32
    %dma_start3A_185 = arith.constant 2 : i32
    %dma_start3A_186 = arith.constant 0 : i32
    %dma_start3A_187 = arith.constant 0 : i32
    %dma_start3A_188 = tpu.memref_slice %arg6[%dma_start3A_185, %dma_start3A_186, %dma_start3A_187] : memref<4x128x128xf32, #tpu.memory_space<vmem>> -> memref<1x128x128xf32, #tpu.memory_space<vmem>>
    %dma_start3A_189 = tpu.memref_squeeze %dma_start3A_188 : memref<1x128x128xf32, #tpu.memory_space<vmem>> -> memref<128x128xf32, #tpu.memory_space<vmem>>
    %dma_start3A_190 = arith.constant 0 : i32
    %dma_start3A_191 = tpu.memref_slice %arg5[%dma_start3A_183, %dma_start3A_184, %dma_start3A_190] : memref<4x1x128xi32, #tpu.memory_space<vmem>> -> memref<1x1x128xi32, #tpu.memory_space<vmem>>
    %dma_start3A_192 = tpu.memref_squeeze %dma_start3A_191 : memref<1x1x128xi32, #tpu.memory_space<vmem>> -> memref<128xi32, #tpu.memory_space<vmem>>
    %dma_start3A_193 = arith.constant 0 : i32
    %dma_start3A_194 = arith.constant 0 : i32
    %dma_start3A_195 = tpu.memref_slice %arg7[%dma_start3A_193, %dma_start3A_194] : memref<1024x128xf32, #tpu.memory_space<vmem_shared>> -> memref<1024x128xf32, #tpu.memory_space<vmem_shared>>
    tpu.enqueue_indirect_dma source(%dma_start3A_195 : memref<1024x128xf32, #tpu.memory_space<vmem_shared>>) target(%dma_start3A_189 : memref<128x128xf32, #tpu.memory_space<vmem>>) offsets(%dma_start3A_192 : memref<128xi32, #tpu.memory_space<vmem>>) semaphore(%arg9 : memref<!tpu.dma_semaphore, #tpu.memory_space<semaphore_mem>>)
    %dma_wait3A_196 = arith.constant 1 : i32
    %dma_wait3A_197 = arith.constant 0 : i32
    %dma_wait3A_198 = arith.constant 0 : i32
    %dma_wait3A_199 = tpu.memref_slice %arg6[%dma_wait3A_196, %dma_wait3A_197, %dma_wait3A_198] : memref<4x128x128xf32, #tpu.memory_space<vmem>> -> memref<1x128x128xf32, #tpu.memory_space<vmem>>
    %dma_wait3A_200 = tpu.memref_squeeze %dma_wait3A_199 : memref<1x128x128xf32, #tpu.memory_space<vmem>> -> memref<128x128xf32, #tpu.memory_space<vmem>>
    %dma_wait3A_201 = arith.constant 0 : i32
    %dma_wait3A_202 = arith.constant 0 : i32
    %dma_wait3A_203 = tpu.memref_slice %arg3[%dma_wait3A_201, %dma_wait3A_202] : memref<1024x128xf32, #tpu.memory_space<hbm>> -> memref<128x128xf32, #tpu.memory_space<hbm>>
    %dma_wait3A_204 = arith.constant 0 : i32
    %dma_wait3A_205 = arith.constant 0 : i32
    %dma_wait3A_206 = tpu.memref_slice %arg6[%dma_wait3A_196, %dma_wait3A_204, %dma_wait3A_205] : memref<4x128x128xf32, #tpu.memory_space<vmem>> -> memref<1x128x128xf32, #tpu.memory_space<vmem>>
    %dma_wait3A_207 = tpu.memref_squeeze %dma_wait3A_206 : memref<1x128x128xf32, #tpu.memory_space<vmem>> -> memref<128x128xf32, #tpu.memory_space<vmem>>
    %dma_wait3A_208 = arith.constant 0 : i32
    %dma_wait3A_209 = arith.constant 0 : i32
    %dma_wait3A_210 = tpu.memref_slice %arg3[%dma_wait3A_208, %dma_wait3A_209] : memref<1024x128xf32, #tpu.memory_space<hbm>> -> memref<128x128xf32, #tpu.memory_space<hbm>>
    tpu.wait_dma2 semaphore(%arg9 : memref<!tpu.dma_semaphore, #tpu.memory_space<semaphore_mem>>) src(%dma_wait3A_210 : memref<128x128xf32, #tpu.memory_space<hbm>>) dst(%dma_wait3A_207 : memref<128x128xf32, #tpu.memory_space<vmem>>)
    %add3A_211 = arith.constant 1 : i32
    %add3A_212 = arith.addi %mul3A_2, %add3A_211 : i32
    %mul3A_213 = arith.constant 128 : i32
    %mul3A_214 = arith.muli %add3A_212, %mul3A_213 : i32
    %dma_start3A_215 = arith.constant 1 : i32
    %dma_start3A_216 = arith.constant 0 : i32
    %dma_start3A_217 = arith.constant 0 : i32
    %dma_start3A_218 = tpu.memref_slice %arg6[%dma_start3A_215, %dma_start3A_216, %dma_start3A_217] : memref<4x128x128xf32, #tpu.memory_space<vmem>> -> memref<1x128x128xf32, #tpu.memory_space<vmem>>
    %dma_start3A_219 = tpu.memref_squeeze %dma_start3A_218 : memref<1x128x128xf32, #tpu.memory_space<vmem>> -> memref<128x128xf32, #tpu.memory_space<vmem>>
    %dma_start3A_220 = arith.constant 0 : i32
    %dma_start3A_221 = tpu.memref_slice %arg4[%mul3A_214, %dma_start3A_220] : memref<3276800x128xf32, #tpu.memory_space<hbm>> -> memref<128x128xf32, #tpu.memory_space<hbm>>
    %dma_start3A_222 = arith.constant 0 : i32
    %dma_start3A_223 = tpu.memref_slice %arg4[%mul3A_214, %dma_start3A_222] : memref<3276800x128xf32, #tpu.memory_space<hbm>> -> memref<128x128xf32, #tpu.memory_space<hbm>>
    %dma_start3A_224 = arith.constant 0 : i32
    %dma_start3A_225 = arith.constant 0 : i32
    %dma_start3A_226 = tpu.memref_slice %arg6[%dma_start3A_215, %dma_start3A_224, %dma_start3A_225] : memref<4x128x128xf32, #tpu.memory_space<vmem>> -> memref<1x128x128xf32, #tpu.memory_space<vmem>>
    %dma_start3A_227 = tpu.memref_squeeze %dma_start3A_226 : memref<1x128x128xf32, #tpu.memory_space<vmem>> -> memref<128x128xf32, #tpu.memory_space<vmem>>
    tpu.enqueue_dma source(%dma_start3A_227 : memref<128x128xf32, #tpu.memory_space<vmem>>) target(%dma_start3A_223 : memref<128x128xf32, #tpu.memory_space<hbm>>) target_semaphore(%arg10 : memref<!tpu.dma_semaphore, #tpu.memory_space<semaphore_mem>>)
    %add3A_228 = arith.constant 5 : i32
    %add3A_229 = arith.addi %mul3A_2, %add3A_228 : i32
    %dma_start3A_230 = arith.constant 1 : i32
    %dma_start3A_231 = arith.constant 0 : i32
    %dma_start3A_232 = arith.constant 0 : i32
    %dma_start3A_233 = tpu.memref_slice %arg5[%dma_start3A_230, %dma_start3A_231, %dma_start3A_232] : memref<4x1x128xi32, #tpu.memory_space<vmem>> -> memref<1x1x128xi32, #tpu.memory_space<vmem>>
    %dma_start3A_234 = tpu.memref_squeeze %dma_start3A_233 : memref<1x1x128xi32, #tpu.memory_space<vmem>> -> memref<1x128xi32, #tpu.memory_space<vmem>>
    %dma_start3A_235 = arith.constant 0 : i32
    %dma_start3A_236 = tpu.memref_slice %arg2[%add3A_229, %dma_start3A_235] : memref<25600x128xi32, #tpu.memory_space<hbm>> -> memref<1x128xi32, #tpu.memory_space<hbm>>
    %dma_start3A_237 = arith.constant 0 : i32
    %dma_start3A_238 = arith.constant 0 : i32
    %dma_start3A_239 = tpu.memref_slice %arg5[%dma_start3A_230, %dma_start3A_237, %dma_start3A_238] : memref<4x1x128xi32, #tpu.memory_space<vmem>> -> memref<1x1x128xi32, #tpu.memory_space<vmem>>
    %dma_start3A_240 = tpu.memref_squeeze %dma_start3A_239 : memref<1x1x128xi32, #tpu.memory_space<vmem>> -> memref<1x128xi32, #tpu.memory_space<vmem>>
    %dma_start3A_241 = arith.constant 0 : i32
    %dma_start3A_242 = tpu.memref_slice %arg2[%add3A_229, %dma_start3A_241] : memref<25600x128xi32, #tpu.memory_space<hbm>> -> memref<1x128xi32, #tpu.memory_space<hbm>>
    tpu.enqueue_dma source(%dma_start3A_242 : memref<1x128xi32, #tpu.memory_space<hbm>>) target(%dma_start3A_240 : memref<1x128xi32, #tpu.memory_space<vmem>>) target_semaphore(%arg8 : memref<!tpu.dma_semaphore, #tpu.memory_space<semaphore_mem>>)
    %dma_wait3A_243 = arith.constant 3 : i32
    %dma_wait3A_244 = arith.constant 0 : i32
    %dma_wait3A_245 = arith.constant 0 : i32
    %dma_wait3A_246 = tpu.memref_slice %arg5[%dma_wait3A_243, %dma_wait3A_244, %dma_wait3A_245] : memref<4x1x128xi32, #tpu.memory_space<vmem>> -> memref<1x1x128xi32, #tpu.memory_space<vmem>>
    %dma_wait3A_247 = tpu.memref_squeeze %dma_wait3A_246 : memref<1x1x128xi32, #tpu.memory_space<vmem>> -> memref<1x128xi32, #tpu.memory_space<vmem>>
    %dma_wait3A_248 = arith.constant 0 : i32
    %dma_wait3A_249 = arith.constant 0 : i32
    %dma_wait3A_250 = tpu.memref_slice %arg2[%dma_wait3A_248, %dma_wait3A_249] : memref<25600x128xi32, #tpu.memory_space<hbm>> -> memref<1x128xi32, #tpu.memory_space<hbm>>
    %dma_wait3A_251 = arith.constant 0 : i32
    %dma_wait3A_252 = arith.constant 0 : i32
    %dma_wait3A_253 = tpu.memref_slice %arg5[%dma_wait3A_243, %dma_wait3A_251, %dma_wait3A_252] : memref<4x1x128xi32, #tpu.memory_space<vmem>> -> memref<1x1x128xi32, #tpu.memory_space<vmem>>
    %dma_wait3A_254 = tpu.memref_squeeze %dma_wait3A_253 : memref<1x1x128xi32, #tpu.memory_space<vmem>> -> memref<1x128xi32, #tpu.memory_space<vmem>>
    %dma_wait3A_255 = arith.constant 0 : i32
    %dma_wait3A_256 = arith.constant 0 : i32
    %dma_wait3A_257 = tpu.memref_slice %arg2[%dma_wait3A_255, %dma_wait3A_256] : memref<25600x128xi32, #tpu.memory_space<hbm>> -> memref<1x128xi32, #tpu.memory_space<hbm>>
    tpu.wait_dma2 semaphore(%arg8 : memref<!tpu.dma_semaphore, #tpu.memory_space<semaphore_mem>>) src(%dma_wait3A_257 : memref<1x128xi32, #tpu.memory_space<hbm>>) dst(%dma_wait3A_254 : memref<1x128xi32, #tpu.memory_space<vmem>>)
    %dma_start3A_258 = arith.constant 3 : i32
    %dma_start3A_259 = arith.constant 0 : i32
    %dma_start3A_260 = arith.constant 3 : i32
    %dma_start3A_261 = arith.constant 0 : i32
    %dma_start3A_262 = arith.constant 0 : i32
    %dma_start3A_263 = tpu.memref_slice %arg6[%dma_start3A_260, %dma_start3A_261, %dma_start3A_262] : memref<4x128x128xf32, #tpu.memory_space<vmem>> -> memref<1x128x128xf32, #tpu.memory_space<vmem>>
    %dma_start3A_264 = tpu.memref_squeeze %dma_start3A_263 : memref<1x128x128xf32, #tpu.memory_space<vmem>> -> memref<128x128xf32, #tpu.memory_space<vmem>>
    %dma_start3A_265 = arith.constant 0 : i32
    %dma_start3A_266 = tpu.memref_slice %arg5[%dma_start3A_258, %dma_start3A_259, %dma_start3A_265] : memref<4x1x128xi32, #tpu.memory_space<vmem>> -> memref<1x1x128xi32, #tpu.memory_space<vmem>>
    %dma_start3A_267 = tpu.memref_squeeze %dma_start3A_266 : memref<1x1x128xi32, #tpu.memory_space<vmem>> -> memref<128xi32, #tpu.memory_space<vmem>>
    %dma_start3A_268 = arith.constant 0 : i32
    %dma_start3A_269 = arith.constant 0 : i32
    %dma_start3A_270 = tpu.memref_slice %arg7[%dma_start3A_268, %dma_start3A_269] : memref<1024x128xf32, #tpu.memory_space<vmem_shared>> -> memref<1024x128xf32, #tpu.memory_space<vmem_shared>>
    tpu.enqueue_indirect_dma source(%dma_start3A_270 : memref<1024x128xf32, #tpu.memory_space<vmem_shared>>) target(%dma_start3A_264 : memref<128x128xf32, #tpu.memory_space<vmem>>) offsets(%dma_start3A_267 : memref<128xi32, #tpu.memory_space<vmem>>) semaphore(%arg9 : memref<!tpu.dma_semaphore, #tpu.memory_space<semaphore_mem>>)
    %dma_wait3A_271 = arith.constant 2 : i32
    %dma_wait3A_272 = arith.constant 0 : i32
    %dma_wait3A_273 = arith.constant 0 : i32
    %dma_wait3A_274 = tpu.memref_slice %arg6[%dma_wait3A_271, %dma_wait3A_272, %dma_wait3A_273] : memref<4x128x128xf32, #tpu.memory_space<vmem>> -> memref<1x128x128xf32, #tpu.memory_space<vmem>>
    %dma_wait3A_275 = tpu.memref_squeeze %dma_wait3A_274 : memref<1x128x128xf32, #tpu.memory_space<vmem>> -> memref<128x128xf32, #tpu.memory_space<vmem>>
    %dma_wait3A_276 = arith.constant 0 : i32
    %dma_wait3A_277 = arith.constant 0 : i32
    %dma_wait3A_278 = tpu.memref_slice %arg3[%dma_wait3A_276, %dma_wait3A_277] : memref<1024x128xf32, #tpu.memory_space<hbm>> -> memref<128x128xf32, #tpu.memory_space<hbm>>
    %dma_wait3A_279 = arith.constant 0 : i32
    %dma_wait3A_280 = arith.constant 0 : i32
    %dma_wait3A_281 = tpu.memref_slice %arg6[%dma_wait3A_271, %dma_wait3A_279, %dma_wait3A_280] : memref<4x128x128xf32, #tpu.memory_space<vmem>> -> memref<1x128x128xf32, #tpu.memory_space<vmem>>
    %dma_wait3A_282 = tpu.memref_squeeze %dma_wait3A_281 : memref<1x128x128xf32, #tpu.memory_space<vmem>> -> memref<128x128xf32, #tpu.memory_space<vmem>>
    %dma_wait3A_283 = arith.constant 0 : i32
    %dma_wait3A_284 = arith.constant 0 : i32
    %dma_wait3A_285 = tpu.memref_slice %arg3[%dma_wait3A_283, %dma_wait3A_284] : memref<1024x128xf32, #tpu.memory_space<hbm>> -> memref<128x128xf32, #tpu.memory_space<hbm>>
    tpu.wait_dma2 semaphore(%arg9 : memref<!tpu.dma_semaphore, #tpu.memory_space<semaphore_mem>>) src(%dma_wait3A_285 : memref<128x128xf32, #tpu.memory_space<hbm>>) dst(%dma_wait3A_282 : memref<128x128xf32, #tpu.memory_space<vmem>>)
    %add3A_286 = arith.constant 2 : i32
    %add3A_287 = arith.addi %mul3A_2, %add3A_286 : i32
    %mul3A_288 = arith.constant 128 : i32
    %mul3A_289 = arith.muli %add3A_287, %mul3A_288 : i32
    %dma_start3A_290 = arith.constant 2 : i32
    %dma_start3A_291 = arith.constant 0 : i32
    %dma_start3A_292 = arith.constant 0 : i32
    %dma_start3A_293 = tpu.memref_slice %arg6[%dma_start3A_290, %dma_start3A_291, %dma_start3A_292] : memref<4x128x128xf32, #tpu.memory_space<vmem>> -> memref<1x128x128xf32, #tpu.memory_space<vmem>>
    %dma_start3A_294 = tpu.memref_squeeze %dma_start3A_293 : memref<1x128x128xf32, #tpu.memory_space<vmem>> -> memref<128x128xf32, #tpu.memory_space<vmem>>
    %dma_start3A_295 = arith.constant 0 : i32
    %dma_start3A_296 = tpu.memref_slice %arg4[%mul3A_289, %dma_start3A_295] : memref<3276800x128xf32, #tpu.memory_space<hbm>> -> memref<128x128xf32, #tpu.memory_space<hbm>>
    %dma_start3A_297 = arith.constant 0 : i32
    %dma_start3A_298 = tpu.memref_slice %arg4[%mul3A_289, %dma_start3A_297] : memref<3276800x128xf32, #tpu.memory_space<hbm>> -> memref<128x128xf32, #tpu.memory_space<hbm>>
    %dma_start3A_299 = arith.constant 0 : i32
    %dma_start3A_300 = arith.constant 0 : i32
    %dma_start3A_301 = tpu.memref_slice %arg6[%dma_start3A_290, %dma_start3A_299, %dma_start3A_300] : memref<4x128x128xf32, #tpu.memory_space<vmem>> -> memref<1x128x128xf32, #tpu.memory_space<vmem>>
    %dma_start3A_302 = tpu.memref_squeeze %dma_start3A_301 : memref<1x128x128xf32, #tpu.memory_space<vmem>> -> memref<128x128xf32, #tpu.memory_space<vmem>>
    tpu.enqueue_dma source(%dma_start3A_302 : memref<128x128xf32, #tpu.memory_space<vmem>>) target(%dma_start3A_298 : memref<128x128xf32, #tpu.memory_space<hbm>>) target_semaphore(%arg10 : memref<!tpu.dma_semaphore, #tpu.memory_space<semaphore_mem>>)
    %add3A_303 = arith.constant 6 : i32
    %add3A_304 = arith.addi %mul3A_2, %add3A_303 : i32
    %dma_start3A_305 = arith.constant 2 : i32
    %dma_start3A_306 = arith.constant 0 : i32
    %dma_start3A_307 = arith.constant 0 : i32
    %dma_start3A_308 = tpu.memref_slice %arg5[%dma_start3A_305, %dma_start3A_306, %dma_start3A_307] : memref<4x1x128xi32, #tpu.memory_space<vmem>> -> memref<1x1x128xi32, #tpu.memory_space<vmem>>
    %dma_start3A_309 = tpu.memref_squeeze %dma_start3A_308 : memref<1x1x128xi32, #tpu.memory_space<vmem>> -> memref<1x128xi32, #tpu.memory_space<vmem>>
    %dma_start3A_310 = arith.constant 0 : i32
    %dma_start3A_311 = tpu.memref_slice %arg2[%add3A_304, %dma_start3A_310] : memref<25600x128xi32, #tpu.memory_space<hbm>> -> memref<1x128xi32, #tpu.memory_space<hbm>>
    %dma_start3A_312 = arith.constant 0 : i32
    %dma_start3A_313 = arith.constant 0 : i32
    %dma_start3A_314 = tpu.memref_slice %arg5[%dma_start3A_305, %dma_start3A_312, %dma_start3A_313] : memref<4x1x128xi32, #tpu.memory_space<vmem>> -> memref<1x1x128xi32, #tpu.memory_space<vmem>>
    %dma_start3A_315 = tpu.memref_squeeze %dma_start3A_314 : memref<1x1x128xi32, #tpu.memory_space<vmem>> -> memref<1x128xi32, #tpu.memory_space<vmem>>
    %dma_start3A_316 = arith.constant 0 : i32
    %dma_start3A_317 = tpu.memref_slice %arg2[%add3A_304, %dma_start3A_316] : memref<25600x128xi32, #tpu.memory_space<hbm>> -> memref<1x128xi32, #tpu.memory_space<hbm>>
    tpu.enqueue_dma source(%dma_start3A_317 : memref<1x128xi32, #tpu.memory_space<hbm>>) target(%dma_start3A_315 : memref<1x128xi32, #tpu.memory_space<vmem>>) target_semaphore(%arg8 : memref<!tpu.dma_semaphore, #tpu.memory_space<semaphore_mem>>)
    %scan3A = arith.constant 0 : i32
    %scan3A_318 = arith.constant 0 : i32
    %scan3A_319 = arith.constant 198 : i32
    %scan3A_320 = arith.addi %scan3A_318, %scan3A_319 : i32
    %scan3A_321 = arith.constant 1 : i32
    scf.for %scan3A_730 = %scan3A_318 to %scan3A_320 step %scan3A_321  : i32 {
      %mul3A_731 = arith.constant 4 : i32
      %mul3A_732 = arith.muli %scan3A_730, %mul3A_731 : i32
      %add3A_733 = arith.constant 0 : i32
      %add3A_734 = arith.addi %mul3A_732, %add3A_733 : i32
      %add3A_735 = arith.constant 3 : i32
      %add3A_736 = arith.addi %add3A_734, %add3A_735 : i32
      %dma_wait3A_737 = arith.constant 0 : i32
      %dma_wait3A_738 = arith.constant 0 : i32
      %dma_wait3A_739 = arith.constant 0 : i32
      %dma_wait3A_740 = tpu.memref_slice %arg6[%dma_wait3A_737, %dma_wait3A_738, %dma_wait3A_739] : memref<4x128x128xf32, #tpu.memory_space<vmem>> -> memref<1x128x128xf32, #tpu.memory_space<vmem>>
      %dma_wait3A_741 = tpu.memref_squeeze %dma_wait3A_740 : memref<1x128x128xf32, #tpu.memory_space<vmem>> -> memref<128x128xf32, #tpu.memory_space<vmem>>
      %dma_wait3A_742 = arith.constant 0 : i32
      %dma_wait3A_743 = arith.constant 0 : i32
      %dma_wait3A_744 = tpu.memref_slice %arg4[%dma_wait3A_742, %dma_wait3A_743] : memref<3276800x128xf32, #tpu.memory_space<hbm>> -> memref<128x128xf32, #tpu.memory_space<hbm>>
      %dma_wait3A_745 = arith.constant 0 : i32
      %dma_wait3A_746 = arith.constant 0 : i32
      %dma_wait3A_747 = tpu.memref_slice %arg4[%dma_wait3A_745, %dma_wait3A_746] : memref<3276800x128xf32, #tpu.memory_space<hbm>> -> memref<128x128xf32, #tpu.memory_space<hbm>>
      %dma_wait3A_748 = arith.constant 0 : i32
      %dma_wait3A_749 = arith.constant 0 : i32
      %dma_wait3A_750 = tpu.memref_slice %arg6[%dma_wait3A_737, %dma_wait3A_748, %dma_wait3A_749] : memref<4x128x128xf32, #tpu.memory_space<vmem>> -> memref<1x128x128xf32, #tpu.memory_space<vmem>>
      %dma_wait3A_751 = tpu.memref_squeeze %dma_wait3A_750 : memref<1x128x128xf32, #tpu.memory_space<vmem>> -> memref<128x128xf32, #tpu.memory_space<vmem>>
      tpu.wait_dma2 semaphore(%arg10 : memref<!tpu.dma_semaphore, #tpu.memory_space<semaphore_mem>>) src(%dma_wait3A_751 : memref<128x128xf32, #tpu.memory_space<vmem>>) dst(%dma_wait3A_747 : memref<128x128xf32, #tpu.memory_space<hbm>>)
      %dma_wait3A_752 = arith.constant 0 : i32
      %dma_wait3A_753 = arith.constant 0 : i32
      %dma_wait3A_754 = arith.constant 0 : i32
      %dma_wait3A_755 = tpu.memref_slice %arg5[%dma_wait3A_752, %dma_wait3A_753, %dma_wait3A_754] : memref<4x1x128xi32, #tpu.memory_space<vmem>> -> memref<1x1x128xi32, #tpu.memory_space<vmem>>
      %dma_wait3A_756 = tpu.memref_squeeze %dma_wait3A_755 : memref<1x1x128xi32, #tpu.memory_space<vmem>> -> memref<1x128xi32, #tpu.memory_space<vmem>>
      %dma_wait3A_757 = arith.constant 0 : i32
      %dma_wait3A_758 = arith.constant 0 : i32
      %dma_wait3A_759 = tpu.memref_slice %arg2[%dma_wait3A_757, %dma_wait3A_758] : memref<25600x128xi32, #tpu.memory_space<hbm>> -> memref<1x128xi32, #tpu.memory_space<hbm>>
      %dma_wait3A_760 = arith.constant 0 : i32
      %dma_wait3A_761 = arith.constant 0 : i32
      %dma_wait3A_762 = tpu.memref_slice %arg5[%dma_wait3A_752, %dma_wait3A_760, %dma_wait3A_761] : memref<4x1x128xi32, #tpu.memory_space<vmem>> -> memref<1x1x128xi32, #tpu.memory_space<vmem>>
      %dma_wait3A_763 = tpu.memref_squeeze %dma_wait3A_762 : memref<1x1x128xi32, #tpu.memory_space<vmem>> -> memref<1x128xi32, #tpu.memory_space<vmem>>
      %dma_wait3A_764 = arith.constant 0 : i32
      %dma_wait3A_765 = arith.constant 0 : i32
      %dma_wait3A_766 = tpu.memref_slice %arg2[%dma_wait3A_764, %dma_wait3A_765] : memref<25600x128xi32, #tpu.memory_space<hbm>> -> memref<1x128xi32, #tpu.memory_space<hbm>>
      tpu.wait_dma2 semaphore(%arg8 : memref<!tpu.dma_semaphore, #tpu.memory_space<semaphore_mem>>) src(%dma_wait3A_766 : memref<1x128xi32, #tpu.memory_space<hbm>>) dst(%dma_wait3A_763 : memref<1x128xi32, #tpu.memory_space<vmem>>)
      %dma_start3A_767 = arith.constant 0 : i32
      %dma_start3A_768 = arith.constant 0 : i32
      %dma_start3A_769 = arith.constant 0 : i32
      %dma_start3A_770 = arith.constant 0 : i32
      %dma_start3A_771 = arith.constant 0 : i32
      %dma_start3A_772 = tpu.memref_slice %arg6[%dma_start3A_769, %dma_start3A_770, %dma_start3A_771] : memref<4x128x128xf32, #tpu.memory_space<vmem>> -> memref<1x128x128xf32, #tpu.memory_space<vmem>>
      %dma_start3A_773 = tpu.memref_squeeze %dma_start3A_772 : memref<1x128x128xf32, #tpu.memory_space<vmem>> -> memref<128x128xf32, #tpu.memory_space<vmem>>
      %dma_start3A_774 = arith.constant 0 : i32
      %dma_start3A_775 = tpu.memref_slice %arg5[%dma_start3A_767, %dma_start3A_768, %dma_start3A_774] : memref<4x1x128xi32, #tpu.memory_space<vmem>> -> memref<1x1x128xi32, #tpu.memory_space<vmem>>
      %dma_start3A_776 = tpu.memref_squeeze %dma_start3A_775 : memref<1x1x128xi32, #tpu.memory_space<vmem>> -> memref<128xi32, #tpu.memory_space<vmem>>
      %dma_start3A_777 = arith.constant 0 : i32
      %dma_start3A_778 = arith.constant 0 : i32
      %dma_start3A_779 = tpu.memref_slice %arg7[%dma_start3A_777, %dma_start3A_778] : memref<1024x128xf32, #tpu.memory_space<vmem_shared>> -> memref<1024x128xf32, #tpu.memory_space<vmem_shared>>
      tpu.enqueue_indirect_dma source(%dma_start3A_779 : memref<1024x128xf32, #tpu.memory_space<vmem_shared>>) target(%dma_start3A_773 : memref<128x128xf32, #tpu.memory_space<vmem>>) offsets(%dma_start3A_776 : memref<128xi32, #tpu.memory_space<vmem>>) semaphore(%arg9 : memref<!tpu.dma_semaphore, #tpu.memory_space<semaphore_mem>>)
      %dma_wait3A_780 = arith.constant 3 : i32
      %dma_wait3A_781 = arith.constant 0 : i32
      %dma_wait3A_782 = arith.constant 0 : i32
      %dma_wait3A_783 = tpu.memref_slice %arg6[%dma_wait3A_780, %dma_wait3A_781, %dma_wait3A_782] : memref<4x128x128xf32, #tpu.memory_space<vmem>> -> memref<1x128x128xf32, #tpu.memory_space<vmem>>
      %dma_wait3A_784 = tpu.memref_squeeze %dma_wait3A_783 : memref<1x128x128xf32, #tpu.memory_space<vmem>> -> memref<128x128xf32, #tpu.memory_space<vmem>>
      %dma_wait3A_785 = arith.constant 0 : i32
      %dma_wait3A_786 = arith.constant 0 : i32
      %dma_wait3A_787 = tpu.memref_slice %arg3[%dma_wait3A_785, %dma_wait3A_786] : memref<1024x128xf32, #tpu.memory_space<hbm>> -> memref<128x128xf32, #tpu.memory_space<hbm>>
      %dma_wait3A_788 = arith.constant 0 : i32
      %dma_wait3A_789 = arith.constant 0 : i32
      %dma_wait3A_790 = tpu.memref_slice %arg6[%dma_wait3A_780, %dma_wait3A_788, %dma_wait3A_789] : memref<4x128x128xf32, #tpu.memory_space<vmem>> -> memref<1x128x128xf32, #tpu.memory_space<vmem>>
      %dma_wait3A_791 = tpu.memref_squeeze %dma_wait3A_790 : memref<1x128x128xf32, #tpu.memory_space<vmem>> -> memref<128x128xf32, #tpu.memory_space<vmem>>
      %dma_wait3A_792 = arith.constant 0 : i32
      %dma_wait3A_793 = arith.constant 0 : i32
      %dma_wait3A_794 = tpu.memref_slice %arg3[%dma_wait3A_792, %dma_wait3A_793] : memref<1024x128xf32, #tpu.memory_space<hbm>> -> memref<128x128xf32, #tpu.memory_space<hbm>>
      tpu.wait_dma2 semaphore(%arg9 : memref<!tpu.dma_semaphore, #tpu.memory_space<semaphore_mem>>) src(%dma_wait3A_794 : memref<128x128xf32, #tpu.memory_space<hbm>>) dst(%dma_wait3A_791 : memref<128x128xf32, #tpu.memory_space<vmem>>)
      %add3A_795 = arith.addi %mul3A_2, %add3A_736 : i32
      %mul3A_796 = arith.constant 128 : i32
      %mul3A_797 = arith.muli %add3A_795, %mul3A_796 : i32
      %dma_start3A_798 = arith.constant 3 : i32
      %dma_start3A_799 = arith.constant 0 : i32
      %dma_start3A_800 = arith.constant 0 : i32
      %dma_start3A_801 = tpu.memref_slice %arg6[%dma_start3A_798, %dma_start3A_799, %dma_start3A_800] : memref<4x128x128xf32, #tpu.memory_space<vmem>> -> memref<1x128x128xf32, #tpu.memory_space<vmem>>
      %dma_start3A_802 = tpu.memref_squeeze %dma_start3A_801 : memref<1x128x128xf32, #tpu.memory_space<vmem>> -> memref<128x128xf32, #tpu.memory_space<vmem>>
      %dma_start3A_803 = arith.constant 0 : i32
      %dma_start3A_804 = tpu.memref_slice %arg4[%mul3A_797, %dma_start3A_803] : memref<3276800x128xf32, #tpu.memory_space<hbm>> -> memref<128x128xf32, #tpu.memory_space<hbm>>
      %dma_start3A_805 = arith.constant 0 : i32
      %dma_start3A_806 = tpu.memref_slice %arg4[%mul3A_797, %dma_start3A_805] : memref<3276800x128xf32, #tpu.memory_space<hbm>> -> memref<128x128xf32, #tpu.memory_space<hbm>>
      %dma_start3A_807 = arith.constant 0 : i32
      %dma_start3A_808 = arith.constant 0 : i32
      %dma_start3A_809 = tpu.memref_slice %arg6[%dma_start3A_798, %dma_start3A_807, %dma_start3A_808] : memref<4x128x128xf32, #tpu.memory_space<vmem>> -> memref<1x128x128xf32, #tpu.memory_space<vmem>>
      %dma_start3A_810 = tpu.memref_squeeze %dma_start3A_809 : memref<1x128x128xf32, #tpu.memory_space<vmem>> -> memref<128x128xf32, #tpu.memory_space<vmem>>
      tpu.enqueue_dma source(%dma_start3A_810 : memref<128x128xf32, #tpu.memory_space<vmem>>) target(%dma_start3A_806 : memref<128x128xf32, #tpu.memory_space<hbm>>) target_semaphore(%arg10 : memref<!tpu.dma_semaphore, #tpu.memory_space<semaphore_mem>>)
      %add3A_811 = arith.constant 4 : i32
      %add3A_812 = arith.addi %add3A_736, %add3A_811 : i32
      %add3A_813 = arith.addi %mul3A_2, %add3A_812 : i32
      %dma_start3A_814 = arith.constant 3 : i32
      %dma_start3A_815 = arith.constant 0 : i32
      %dma_start3A_816 = arith.constant 0 : i32
      %dma_start3A_817 = tpu.memref_slice %arg5[%dma_start3A_814, %dma_start3A_815, %dma_start3A_816] : memref<4x1x128xi32, #tpu.memory_space<vmem>> -> memref<1x1x128xi32, #tpu.memory_space<vmem>>
      %dma_start3A_818 = tpu.memref_squeeze %dma_start3A_817 : memref<1x1x128xi32, #tpu.memory_space<vmem>> -> memref<1x128xi32, #tpu.memory_space<vmem>>
      %dma_start3A_819 = arith.constant 0 : i32
      %dma_start3A_820 = tpu.memref_slice %arg2[%add3A_813, %dma_start3A_819] : memref<25600x128xi32, #tpu.memory_space<hbm>> -> memref<1x128xi32, #tpu.memory_space<hbm>>
      %dma_start3A_821 = arith.constant 0 : i32
      %dma_start3A_822 = arith.constant 0 : i32
      %dma_start3A_823 = tpu.memref_slice %arg5[%dma_start3A_814, %dma_start3A_821, %dma_start3A_822] : memref<4x1x128xi32, #tpu.memory_space<vmem>> -> memref<1x1x128xi32, #tpu.memory_space<vmem>>
      %dma_start3A_824 = tpu.memref_squeeze %dma_start3A_823 : memref<1x1x128xi32, #tpu.memory_space<vmem>> -> memref<1x128xi32, #tpu.memory_space<vmem>>
      %dma_start3A_825 = arith.constant 0 : i32
      %dma_start3A_826 = tpu.memref_slice %arg2[%add3A_813, %dma_start3A_825] : memref<25600x128xi32, #tpu.memory_space<hbm>> -> memref<1x128xi32, #tpu.memory_space<hbm>>
      tpu.enqueue_dma source(%dma_start3A_826 : memref<1x128xi32, #tpu.memory_space<hbm>>) target(%dma_start3A_824 : memref<1x128xi32, #tpu.memory_space<vmem>>) target_semaphore(%arg8 : memref<!tpu.dma_semaphore, #tpu.memory_space<semaphore_mem>>)
      %mul3A_827 = arith.constant 4 : i32
      %mul3A_828 = arith.muli %scan3A_730, %mul3A_827 : i32
      %add3A_829 = arith.constant 1 : i32
      %add3A_830 = arith.addi %mul3A_828, %add3A_829 : i32
      %add3A_831 = arith.constant 3 : i32
      %add3A_832 = arith.addi %add3A_830, %add3A_831 : i32
      %dma_wait3A_833 = arith.constant 1 : i32
      %dma_wait3A_834 = arith.constant 0 : i32
      %dma_wait3A_835 = arith.constant 0 : i32
      %dma_wait3A_836 = tpu.memref_slice %arg6[%dma_wait3A_833, %dma_wait3A_834, %dma_wait3A_835] : memref<4x128x128xf32, #tpu.memory_space<vmem>> -> memref<1x128x128xf32, #tpu.memory_space<vmem>>
      %dma_wait3A_837 = tpu.memref_squeeze %dma_wait3A_836 : memref<1x128x128xf32, #tpu.memory_space<vmem>> -> memref<128x128xf32, #tpu.memory_space<vmem>>
      %dma_wait3A_838 = arith.constant 0 : i32
      %dma_wait3A_839 = arith.constant 0 : i32
      %dma_wait3A_840 = tpu.memref_slice %arg4[%dma_wait3A_838, %dma_wait3A_839] : memref<3276800x128xf32, #tpu.memory_space<hbm>> -> memref<128x128xf32, #tpu.memory_space<hbm>>
      %dma_wait3A_841 = arith.constant 0 : i32
      %dma_wait3A_842 = arith.constant 0 : i32
      %dma_wait3A_843 = tpu.memref_slice %arg4[%dma_wait3A_841, %dma_wait3A_842] : memref<3276800x128xf32, #tpu.memory_space<hbm>> -> memref<128x128xf32, #tpu.memory_space<hbm>>
      %dma_wait3A_844 = arith.constant 0 : i32
      %dma_wait3A_845 = arith.constant 0 : i32
      %dma_wait3A_846 = tpu.memref_slice %arg6[%dma_wait3A_833, %dma_wait3A_844, %dma_wait3A_845] : memref<4x128x128xf32, #tpu.memory_space<vmem>> -> memref<1x128x128xf32, #tpu.memory_space<vmem>>
      %dma_wait3A_847 = tpu.memref_squeeze %dma_wait3A_846 : memref<1x128x128xf32, #tpu.memory_space<vmem>> -> memref<128x128xf32, #tpu.memory_space<vmem>>
      tpu.wait_dma2 semaphore(%arg10 : memref<!tpu.dma_semaphore, #tpu.memory_space<semaphore_mem>>) src(%dma_wait3A_847 : memref<128x128xf32, #tpu.memory_space<vmem>>) dst(%dma_wait3A_843 : memref<128x128xf32, #tpu.memory_space<hbm>>)
      %dma_wait3A_848 = arith.constant 1 : i32
      %dma_wait3A_849 = arith.constant 0 : i32
      %dma_wait3A_850 = arith.constant 0 : i32
      %dma_wait3A_851 = tpu.memref_slice %arg5[%dma_wait3A_848, %dma_wait3A_849, %dma_wait3A_850] : memref<4x1x128xi32, #tpu.memory_space<vmem>> -> memref<1x1x128xi32, #tpu.memory_space<vmem>>
      %dma_wait3A_852 = tpu.memref_squeeze %dma_wait3A_851 : memref<1x1x128xi32, #tpu.memory_space<vmem>> -> memref<1x128xi32, #tpu.memory_space<vmem>>
      %dma_wait3A_853 = arith.constant 0 : i32
      %dma_wait3A_854 = arith.constant 0 : i32
      %dma_wait3A_855 = tpu.memref_slice %arg2[%dma_wait3A_853, %dma_wait3A_854] : memref<25600x128xi32, #tpu.memory_space<hbm>> -> memref<1x128xi32, #tpu.memory_space<hbm>>
      %dma_wait3A_856 = arith.constant 0 : i32
      %dma_wait3A_857 = arith.constant 0 : i32
      %dma_wait3A_858 = tpu.memref_slice %arg5[%dma_wait3A_848, %dma_wait3A_856, %dma_wait3A_857] : memref<4x1x128xi32, #tpu.memory_space<vmem>> -> memref<1x1x128xi32, #tpu.memory_space<vmem>>
      %dma_wait3A_859 = tpu.memref_squeeze %dma_wait3A_858 : memref<1x1x128xi32, #tpu.memory_space<vmem>> -> memref<1x128xi32, #tpu.memory_space<vmem>>
      %dma_wait3A_860 = arith.constant 0 : i32
      %dma_wait3A_861 = arith.constant 0 : i32
      %dma_wait3A_862 = tpu.memref_slice %arg2[%dma_wait3A_860, %dma_wait3A_861] : memref<25600x128xi32, #tpu.memory_space<hbm>> -> memref<1x128xi32, #tpu.memory_space<hbm>>
      tpu.wait_dma2 semaphore(%arg8 : memref<!tpu.dma_semaphore, #tpu.memory_space<semaphore_mem>>) src(%dma_wait3A_862 : memref<1x128xi32, #tpu.memory_space<hbm>>) dst(%dma_wait3A_859 : memref<1x128xi32, #tpu.memory_space<vmem>>)
      %dma_start3A_863 = arith.constant 1 : i32
      %dma_start3A_864 = arith.constant 0 : i32
      %dma_start3A_865 = arith.constant 1 : i32
      %dma_start3A_866 = arith.constant 0 : i32
      %dma_start3A_867 = arith.constant 0 : i32
      %dma_start3A_868 = tpu.memref_slice %arg6[%dma_start3A_865, %dma_start3A_866, %dma_start3A_867] : memref<4x128x128xf32, #tpu.memory_space<vmem>> -> memref<1x128x128xf32, #tpu.memory_space<vmem>>
      %dma_start3A_869 = tpu.memref_squeeze %dma_start3A_868 : memref<1x128x128xf32, #tpu.memory_space<vmem>> -> memref<128x128xf32, #tpu.memory_space<vmem>>
      %dma_start3A_870 = arith.constant 0 : i32
      %dma_start3A_871 = tpu.memref_slice %arg5[%dma_start3A_863, %dma_start3A_864, %dma_start3A_870] : memref<4x1x128xi32, #tpu.memory_space<vmem>> -> memref<1x1x128xi32, #tpu.memory_space<vmem>>
      %dma_start3A_872 = tpu.memref_squeeze %dma_start3A_871 : memref<1x1x128xi32, #tpu.memory_space<vmem>> -> memref<128xi32, #tpu.memory_space<vmem>>
      %dma_start3A_873 = arith.constant 0 : i32
      %dma_start3A_874 = arith.constant 0 : i32
      %dma_start3A_875 = tpu.memref_slice %arg7[%dma_start3A_873, %dma_start3A_874] : memref<1024x128xf32, #tpu.memory_space<vmem_shared>> -> memref<1024x128xf32, #tpu.memory_space<vmem_shared>>
      tpu.enqueue_indirect_dma source(%dma_start3A_875 : memref<1024x128xf32, #tpu.memory_space<vmem_shared>>) target(%dma_start3A_869 : memref<128x128xf32, #tpu.memory_space<vmem>>) offsets(%dma_start3A_872 : memref<128xi32, #tpu.memory_space<vmem>>) semaphore(%arg9 : memref<!tpu.dma_semaphore, #tpu.memory_space<semaphore_mem>>)
      %dma_wait3A_876 = arith.constant 0 : i32
      %dma_wait3A_877 = arith.constant 0 : i32
      %dma_wait3A_878 = arith.constant 0 : i32
      %dma_wait3A_879 = tpu.memref_slice %arg6[%dma_wait3A_876, %dma_wait3A_877, %dma_wait3A_878] : memref<4x128x128xf32, #tpu.memory_space<vmem>> -> memref<1x128x128xf32, #tpu.memory_space<vmem>>
      %dma_wait3A_880 = tpu.memref_squeeze %dma_wait3A_879 : memref<1x128x128xf32, #tpu.memory_space<vmem>> -> memref<128x128xf32, #tpu.memory_space<vmem>>
      %dma_wait3A_881 = arith.constant 0 : i32
      %dma_wait3A_882 = arith.constant 0 : i32
      %dma_wait3A_883 = tpu.memref_slice %arg3[%dma_wait3A_881, %dma_wait3A_882] : memref<1024x128xf32, #tpu.memory_space<hbm>> -> memref<128x128xf32, #tpu.memory_space<hbm>>
      %dma_wait3A_884 = arith.constant 0 : i32
      %dma_wait3A_885 = arith.constant 0 : i32
      %dma_wait3A_886 = tpu.memref_slice %arg6[%dma_wait3A_876, %dma_wait3A_884, %dma_wait3A_885] : memref<4x128x128xf32, #tpu.memory_space<vmem>> -> memref<1x128x128xf32, #tpu.memory_space<vmem>>
      %dma_wait3A_887 = tpu.memref_squeeze %dma_wait3A_886 : memref<1x128x128xf32, #tpu.memory_space<vmem>> -> memref<128x128xf32, #tpu.memory_space<vmem>>
      %dma_wait3A_888 = arith.constant 0 : i32
      %dma_wait3A_889 = arith.constant 0 : i32
      %dma_wait3A_890 = tpu.memref_slice %arg3[%dma_wait3A_888, %dma_wait3A_889] : memref<1024x128xf32, #tpu.memory_space<hbm>> -> memref<128x128xf32, #tpu.memory_space<hbm>>
      tpu.wait_dma2 semaphore(%arg9 : memref<!tpu.dma_semaphore, #tpu.memory_space<semaphore_mem>>) src(%dma_wait3A_890 : memref<128x128xf32, #tpu.memory_space<hbm>>) dst(%dma_wait3A_887 : memref<128x128xf32, #tpu.memory_space<vmem>>)
      %add3A_891 = arith.addi %mul3A_2, %add3A_832 : i32
      %mul3A_892 = arith.constant 128 : i32
      %mul3A_893 = arith.muli %add3A_891, %mul3A_892 : i32
      %dma_start3A_894 = arith.constant 0 : i32
      %dma_start3A_895 = arith.constant 0 : i32
      %dma_start3A_896 = arith.constant 0 : i32
      %dma_start3A_897 = tpu.memref_slice %arg6[%dma_start3A_894, %dma_start3A_895, %dma_start3A_896] : memref<4x128x128xf32, #tpu.memory_space<vmem>> -> memref<1x128x128xf32, #tpu.memory_space<vmem>>
      %dma_start3A_898 = tpu.memref_squeeze %dma_start3A_897 : memref<1x128x128xf32, #tpu.memory_space<vmem>> -> memref<128x128xf32, #tpu.memory_space<vmem>>
      %dma_start3A_899 = arith.constant 0 : i32
      %dma_start3A_900 = tpu.memref_slice %arg4[%mul3A_893, %dma_start3A_899] : memref<3276800x128xf32, #tpu.memory_space<hbm>> -> memref<128x128xf32, #tpu.memory_space<hbm>>
      %dma_start3A_901 = arith.constant 0 : i32
      %dma_start3A_902 = tpu.memref_slice %arg4[%mul3A_893, %dma_start3A_901] : memref<3276800x128xf32, #tpu.memory_space<hbm>> -> memref<128x128xf32, #tpu.memory_space<hbm>>
      %dma_start3A_903 = arith.constant 0 : i32
      %dma_start3A_904 = arith.constant 0 : i32
      %dma_start3A_905 = tpu.memref_slice %arg6[%dma_start3A_894, %dma_start3A_903, %dma_start3A_904] : memref<4x128x128xf32, #tpu.memory_space<vmem>> -> memref<1x128x128xf32, #tpu.memory_space<vmem>>
      %dma_start3A_906 = tpu.memref_squeeze %dma_start3A_905 : memref<1x128x128xf32, #tpu.memory_space<vmem>> -> memref<128x128xf32, #tpu.memory_space<vmem>>
      tpu.enqueue_dma source(%dma_start3A_906 : memref<128x128xf32, #tpu.memory_space<vmem>>) target(%dma_start3A_902 : memref<128x128xf32, #tpu.memory_space<hbm>>) target_semaphore(%arg10 : memref<!tpu.dma_semaphore, #tpu.memory_space<semaphore_mem>>)
      %add3A_907 = arith.constant 4 : i32
      %add3A_908 = arith.addi %add3A_832, %add3A_907 : i32
      %add3A_909 = arith.addi %mul3A_2, %add3A_908 : i32
      %dma_start3A_910 = arith.constant 0 : i32
      %dma_start3A_911 = arith.constant 0 : i32
      %dma_start3A_912 = arith.constant 0 : i32
      %dma_start3A_913 = tpu.memref_slice %arg5[%dma_start3A_910, %dma_start3A_911, %dma_start3A_912] : memref<4x1x128xi32, #tpu.memory_space<vmem>> -> memref<1x1x128xi32, #tpu.memory_space<vmem>>
      %dma_start3A_914 = tpu.memref_squeeze %dma_start3A_913 : memref<1x1x128xi32, #tpu.memory_space<vmem>> -> memref<1x128xi32, #tpu.memory_space<vmem>>
      %dma_start3A_915 = arith.constant 0 : i32
      %dma_start3A_916 = tpu.memref_slice %arg2[%add3A_909, %dma_start3A_915] : memref<25600x128xi32, #tpu.memory_space<hbm>> -> memref<1x128xi32, #tpu.memory_space<hbm>>
      %dma_start3A_917 = arith.constant 0 : i32
      %dma_start3A_918 = arith.constant 0 : i32
      %dma_start3A_919 = tpu.memref_slice %arg5[%dma_start3A_910, %dma_start3A_917, %dma_start3A_918] : memref<4x1x128xi32, #tpu.memory_space<vmem>> -> memref<1x1x128xi32, #tpu.memory_space<vmem>>
      %dma_start3A_920 = tpu.memref_squeeze %dma_start3A_919 : memref<1x1x128xi32, #tpu.memory_space<vmem>> -> memref<1x128xi32, #tpu.memory_space<vmem>>
      %dma_start3A_921 = arith.constant 0 : i32
      %dma_start3A_922 = tpu.memref_slice %arg2[%add3A_909, %dma_start3A_921] : memref<25600x128xi32, #tpu.memory_space<hbm>> -> memref<1x128xi32, #tpu.memory_space<hbm>>
      tpu.enqueue_dma source(%dma_start3A_922 : memref<1x128xi32, #tpu.memory_space<hbm>>) target(%dma_start3A_920 : memref<1x128xi32, #tpu.memory_space<vmem>>) target_semaphore(%arg8 : memref<!tpu.dma_semaphore, #tpu.memory_space<semaphore_mem>>)
      %mul3A_923 = arith.constant 4 : i32
      %mul3A_924 = arith.muli %scan3A_730, %mul3A_923 : i32
      %add3A_925 = arith.constant 2 : i32
      %add3A_926 = arith.addi %mul3A_924, %add3A_925 : i32
      %add3A_927 = arith.constant 3 : i32
      %add3A_928 = arith.addi %add3A_926, %add3A_927 : i32
      %dma_wait3A_929 = arith.constant 2 : i32
      %dma_wait3A_930 = arith.constant 0 : i32
      %dma_wait3A_931 = arith.constant 0 : i32
      %dma_wait3A_932 = tpu.memref_slice %arg6[%dma_wait3A_929, %dma_wait3A_930, %dma_wait3A_931] : memref<4x128x128xf32, #tpu.memory_space<vmem>> -> memref<1x128x128xf32, #tpu.memory_space<vmem>>
      %dma_wait3A_933 = tpu.memref_squeeze %dma_wait3A_932 : memref<1x128x128xf32, #tpu.memory_space<vmem>> -> memref<128x128xf32, #tpu.memory_space<vmem>>
      %dma_wait3A_934 = arith.constant 0 : i32
      %dma_wait3A_935 = arith.constant 0 : i32
      %dma_wait3A_936 = tpu.memref_slice %arg4[%dma_wait3A_934, %dma_wait3A_935] : memref<3276800x128xf32, #tpu.memory_space<hbm>> -> memref<128x128xf32, #tpu.memory_space<hbm>>
      %dma_wait3A_937 = arith.constant 0 : i32
      %dma_wait3A_938 = arith.constant 0 : i32
      %dma_wait3A_939 = tpu.memref_slice %arg4[%dma_wait3A_937, %dma_wait3A_938] : memref<3276800x128xf32, #tpu.memory_space<hbm>> -> memref<128x128xf32, #tpu.memory_space<hbm>>
      %dma_wait3A_940 = arith.constant 0 : i32
      %dma_wait3A_941 = arith.constant 0 : i32
      %dma_wait3A_942 = tpu.memref_slice %arg6[%dma_wait3A_929, %dma_wait3A_940, %dma_wait3A_941] : memref<4x128x128xf32, #tpu.memory_space<vmem>> -> memref<1x128x128xf32, #tpu.memory_space<vmem>>
      %dma_wait3A_943 = tpu.memref_squeeze %dma_wait3A_942 : memref<1x128x128xf32, #tpu.memory_space<vmem>> -> memref<128x128xf32, #tpu.memory_space<vmem>>
      tpu.wait_dma2 semaphore(%arg10 : memref<!tpu.dma_semaphore, #tpu.memory_space<semaphore_mem>>) src(%dma_wait3A_943 : memref<128x128xf32, #tpu.memory_space<vmem>>) dst(%dma_wait3A_939 : memref<128x128xf32, #tpu.memory_space<hbm>>)
      %dma_wait3A_944 = arith.constant 2 : i32
      %dma_wait3A_945 = arith.constant 0 : i32
      %dma_wait3A_946 = arith.constant 0 : i32
      %dma_wait3A_947 = tpu.memref_slice %arg5[%dma_wait3A_944, %dma_wait3A_945, %dma_wait3A_946] : memref<4x1x128xi32, #tpu.memory_space<vmem>> -> memref<1x1x128xi32, #tpu.memory_space<vmem>>
      %dma_wait3A_948 = tpu.memref_squeeze %dma_wait3A_947 : memref<1x1x128xi32, #tpu.memory_space<vmem>> -> memref<1x128xi32, #tpu.memory_space<vmem>>
      %dma_wait3A_949 = arith.constant 0 : i32
      %dma_wait3A_950 = arith.constant 0 : i32
      %dma_wait3A_951 = tpu.memref_slice %arg2[%dma_wait3A_949, %dma_wait3A_950] : memref<25600x128xi32, #tpu.memory_space<hbm>> -> memref<1x128xi32, #tpu.memory_space<hbm>>
      %dma_wait3A_952 = arith.constant 0 : i32
      %dma_wait3A_953 = arith.constant 0 : i32
      %dma_wait3A_954 = tpu.memref_slice %arg5[%dma_wait3A_944, %dma_wait3A_952, %dma_wait3A_953] : memref<4x1x128xi32, #tpu.memory_space<vmem>> -> memref<1x1x128xi32, #tpu.memory_space<vmem>>
      %dma_wait3A_955 = tpu.memref_squeeze %dma_wait3A_954 : memref<1x1x128xi32, #tpu.memory_space<vmem>> -> memref<1x128xi32, #tpu.memory_space<vmem>>
      %dma_wait3A_956 = arith.constant 0 : i32
      %dma_wait3A_957 = arith.constant 0 : i32
      %dma_wait3A_958 = tpu.memref_slice %arg2[%dma_wait3A_956, %dma_wait3A_957] : memref<25600x128xi32, #tpu.memory_space<hbm>> -> memref<1x128xi32, #tpu.memory_space<hbm>>
      tpu.wait_dma2 semaphore(%arg8 : memref<!tpu.dma_semaphore, #tpu.memory_space<semaphore_mem>>) src(%dma_wait3A_958 : memref<1x128xi32, #tpu.memory_space<hbm>>) dst(%dma_wait3A_955 : memref<1x128xi32, #tpu.memory_space<vmem>>)
      %dma_start3A_959 = arith.constant 2 : i32
      %dma_start3A_960 = arith.constant 0 : i32
      %dma_start3A_961 = arith.constant 2 : i32
      %dma_start3A_962 = arith.constant 0 : i32
      %dma_start3A_963 = arith.constant 0 : i32
      %dma_start3A_964 = tpu.memref_slice %arg6[%dma_start3A_961, %dma_start3A_962, %dma_start3A_963] : memref<4x128x128xf32, #tpu.memory_space<vmem>> -> memref<1x128x128xf32, #tpu.memory_space<vmem>>
      %dma_start3A_965 = tpu.memref_squeeze %dma_start3A_964 : memref<1x128x128xf32, #tpu.memory_space<vmem>> -> memref<128x128xf32, #tpu.memory_space<vmem>>
      %dma_start3A_966 = arith.constant 0 : i32
      %dma_start3A_967 = tpu.memref_slice %arg5[%dma_start3A_959, %dma_start3A_960, %dma_start3A_966] : memref<4x1x128xi32, #tpu.memory_space<vmem>> -> memref<1x1x128xi32, #tpu.memory_space<vmem>>
      %dma_start3A_968 = tpu.memref_squeeze %dma_start3A_967 : memref<1x1x128xi32, #tpu.memory_space<vmem>> -> memref<128xi32, #tpu.memory_space<vmem>>
      %dma_start3A_969 = arith.constant 0 : i32
      %dma_start3A_970 = arith.constant 0 : i32
      %dma_start3A_971 = tpu.memref_slice %arg7[%dma_start3A_969, %dma_start3A_970] : memref<1024x128xf32, #tpu.memory_space<vmem_shared>> -> memref<1024x128xf32, #tpu.memory_space<vmem_shared>>
      tpu.enqueue_indirect_dma source(%dma_start3A_971 : memref<1024x128xf32, #tpu.memory_space<vmem_shared>>) target(%dma_start3A_965 : memref<128x128xf32, #tpu.memory_space<vmem>>) offsets(%dma_start3A_968 : memref<128xi32, #tpu.memory_space<vmem>>) semaphore(%arg9 : memref<!tpu.dma_semaphore, #tpu.memory_space<semaphore_mem>>)
      %dma_wait3A_972 = arith.constant 1 : i32
      %dma_wait3A_973 = arith.constant 0 : i32
      %dma_wait3A_974 = arith.constant 0 : i32
      %dma_wait3A_975 = tpu.memref_slice %arg6[%dma_wait3A_972, %dma_wait3A_973, %dma_wait3A_974] : memref<4x128x128xf32, #tpu.memory_space<vmem>> -> memref<1x128x128xf32, #tpu.memory_space<vmem>>
      %dma_wait3A_976 = tpu.memref_squeeze %dma_wait3A_975 : memref<1x128x128xf32, #tpu.memory_space<vmem>> -> memref<128x128xf32, #tpu.memory_space<vmem>>
      %dma_wait3A_977 = arith.constant 0 : i32
      %dma_wait3A_978 = arith.constant 0 : i32
      %dma_wait3A_979 = tpu.memref_slice %arg3[%dma_wait3A_977, %dma_wait3A_978] : memref<1024x128xf32, #tpu.memory_space<hbm>> -> memref<128x128xf32, #tpu.memory_space<hbm>>
      %dma_wait3A_980 = arith.constant 0 : i32
      %dma_wait3A_981 = arith.constant 0 : i32
      %dma_wait3A_982 = tpu.memref_slice %arg6[%dma_wait3A_972, %dma_wait3A_980, %dma_wait3A_981] : memref<4x128x128xf32, #tpu.memory_space<vmem>> -> memref<1x128x128xf32, #tpu.memory_space<vmem>>
      %dma_wait3A_983 = tpu.memref_squeeze %dma_wait3A_982 : memref<1x128x128xf32, #tpu.memory_space<vmem>> -> memref<128x128xf32, #tpu.memory_space<vmem>>
      %dma_wait3A_984 = arith.constant 0 : i32
      %dma_wait3A_985 = arith.constant 0 : i32
      %dma_wait3A_986 = tpu.memref_slice %arg3[%dma_wait3A_984, %dma_wait3A_985] : memref<1024x128xf32, #tpu.memory_space<hbm>> -> memref<128x128xf32, #tpu.memory_space<hbm>>
      tpu.wait_dma2 semaphore(%arg9 : memref<!tpu.dma_semaphore, #tpu.memory_space<semaphore_mem>>) src(%dma_wait3A_986 : memref<128x128xf32, #tpu.memory_space<hbm>>) dst(%dma_wait3A_983 : memref<128x128xf32, #tpu.memory_space<vmem>>)
      %add3A_987 = arith.addi %mul3A_2, %add3A_928 : i32
      %mul3A_988 = arith.constant 128 : i32
      %mul3A_989 = arith.muli %add3A_987, %mul3A_988 : i32
      %dma_start3A_990 = arith.constant 1 : i32
      %dma_start3A_991 = arith.constant 0 : i32
      %dma_start3A_992 = arith.constant 0 : i32
      %dma_start3A_993 = tpu.memref_slice %arg6[%dma_start3A_990, %dma_start3A_991, %dma_start3A_992] : memref<4x128x128xf32, #tpu.memory_space<vmem>> -> memref<1x128x128xf32, #tpu.memory_space<vmem>>
      %dma_start3A_994 = tpu.memref_squeeze %dma_start3A_993 : memref<1x128x128xf32, #tpu.memory_space<vmem>> -> memref<128x128xf32, #tpu.memory_space<vmem>>
      %dma_start3A_995 = arith.constant 0 : i32
      %dma_start3A_996 = tpu.memref_slice %arg4[%mul3A_989, %dma_start3A_995] : memref<3276800x128xf32, #tpu.memory_space<hbm>> -> memref<128x128xf32, #tpu.memory_space<hbm>>
      %dma_start3A_997 = arith.constant 0 : i32
      %dma_start3A_998 = tpu.memref_slice %arg4[%mul3A_989, %dma_start3A_997] : memref<3276800x128xf32, #tpu.memory_space<hbm>> -> memref<128x128xf32, #tpu.memory_space<hbm>>
      %dma_start3A_999 = arith.constant 0 : i32
      %dma_start3A_1000 = arith.constant 0 : i32
      %dma_start3A_1001 = tpu.memref_slice %arg6[%dma_start3A_990, %dma_start3A_999, %dma_start3A_1000] : memref<4x128x128xf32, #tpu.memory_space<vmem>> -> memref<1x128x128xf32, #tpu.memory_space<vmem>>
      %dma_start3A_1002 = tpu.memref_squeeze %dma_start3A_1001 : memref<1x128x128xf32, #tpu.memory_space<vmem>> -> memref<128x128xf32, #tpu.memory_space<vmem>>
      tpu.enqueue_dma source(%dma_start3A_1002 : memref<128x128xf32, #tpu.memory_space<vmem>>) target(%dma_start3A_998 : memref<128x128xf32, #tpu.memory_space<hbm>>) target_semaphore(%arg10 : memref<!tpu.dma_semaphore, #tpu.memory_space<semaphore_mem>>)
      %add3A_1003 = arith.constant 4 : i32
      %add3A_1004 = arith.addi %add3A_928, %add3A_1003 : i32
      %add3A_1005 = arith.addi %mul3A_2, %add3A_1004 : i32
      %dma_start3A_1006 = arith.constant 1 : i32
      %dma_start3A_1007 = arith.constant 0 : i32
      %dma_start3A_1008 = arith.constant 0 : i32
      %dma_start3A_1009 = tpu.memref_slice %arg5[%dma_start3A_1006, %dma_start3A_1007, %dma_start3A_1008] : memref<4x1x128xi32, #tpu.memory_space<vmem>> -> memref<1x1x128xi32, #tpu.memory_space<vmem>>
      %dma_start3A_1010 = tpu.memref_squeeze %dma_start3A_1009 : memref<1x1x128xi32, #tpu.memory_space<vmem>> -> memref<1x128xi32, #tpu.memory_space<vmem>>
      %dma_start3A_1011 = arith.constant 0 : i32
      %dma_start3A_1012 = tpu.memref_slice %arg2[%add3A_1005, %dma_start3A_1011] : memref<25600x128xi32, #tpu.memory_space<hbm>> -> memref<1x128xi32, #tpu.memory_space<hbm>>
      %dma_start3A_1013 = arith.constant 0 : i32
      %dma_start3A_1014 = arith.constant 0 : i32
      %dma_start3A_1015 = tpu.memref_slice %arg5[%dma_start3A_1006, %dma_start3A_1013, %dma_start3A_1014] : memref<4x1x128xi32, #tpu.memory_space<vmem>> -> memref<1x1x128xi32, #tpu.memory_space<vmem>>
      %dma_start3A_1016 = tpu.memref_squeeze %dma_start3A_1015 : memref<1x1x128xi32, #tpu.memory_space<vmem>> -> memref<1x128xi32, #tpu.memory_space<vmem>>
      %dma_start3A_1017 = arith.constant 0 : i32
      %dma_start3A_1018 = tpu.memref_slice %arg2[%add3A_1005, %dma_start3A_1017] : memref<25600x128xi32, #tpu.memory_space<hbm>> -> memref<1x128xi32, #tpu.memory_space<hbm>>
      tpu.enqueue_dma source(%dma_start3A_1018 : memref<1x128xi32, #tpu.memory_space<hbm>>) target(%dma_start3A_1016 : memref<1x128xi32, #tpu.memory_space<vmem>>) target_semaphore(%arg8 : memref<!tpu.dma_semaphore, #tpu.memory_space<semaphore_mem>>)
      %mul3A_1019 = arith.constant 4 : i32
      %mul3A_1020 = arith.muli %scan3A_730, %mul3A_1019 : i32
      %add3A_1021 = arith.constant 3 : i32
      %add3A_1022 = arith.addi %mul3A_1020, %add3A_1021 : i32
      %add3A_1023 = arith.constant 3 : i32
      %add3A_1024 = arith.addi %add3A_1022, %add3A_1023 : i32
      %dma_wait3A_1025 = arith.constant 3 : i32
      %dma_wait3A_1026 = arith.constant 0 : i32
      %dma_wait3A_1027 = arith.constant 0 : i32
      %dma_wait3A_1028 = tpu.memref_slice %arg6[%dma_wait3A_1025, %dma_wait3A_1026, %dma_wait3A_1027] : memref<4x128x128xf32, #tpu.memory_space<vmem>> -> memref<1x128x128xf32, #tpu.memory_space<vmem>>
      %dma_wait3A_1029 = tpu.memref_squeeze %dma_wait3A_1028 : memref<1x128x128xf32, #tpu.memory_space<vmem>> -> memref<128x128xf32, #tpu.memory_space<vmem>>
      %dma_wait3A_1030 = arith.constant 0 : i32
      %dma_wait3A_1031 = arith.constant 0 : i32
      %dma_wait3A_1032 = tpu.memref_slice %arg4[%dma_wait3A_1030, %dma_wait3A_1031] : memref<3276800x128xf32, #tpu.memory_space<hbm>> -> memref<128x128xf32, #tpu.memory_space<hbm>>
      %dma_wait3A_1033 = arith.constant 0 : i32
      %dma_wait3A_1034 = arith.constant 0 : i32
      %dma_wait3A_1035 = tpu.memref_slice %arg4[%dma_wait3A_1033, %dma_wait3A_1034] : memref<3276800x128xf32, #tpu.memory_space<hbm>> -> memref<128x128xf32, #tpu.memory_space<hbm>>
      %dma_wait3A_1036 = arith.constant 0 : i32
      %dma_wait3A_1037 = arith.constant 0 : i32
      %dma_wait3A_1038 = tpu.memref_slice %arg6[%dma_wait3A_1025, %dma_wait3A_1036, %dma_wait3A_1037] : memref<4x128x128xf32, #tpu.memory_space<vmem>> -> memref<1x128x128xf32, #tpu.memory_space<vmem>>
      %dma_wait3A_1039 = tpu.memref_squeeze %dma_wait3A_1038 : memref<1x128x128xf32, #tpu.memory_space<vmem>> -> memref<128x128xf32, #tpu.memory_space<vmem>>
      tpu.wait_dma2 semaphore(%arg10 : memref<!tpu.dma_semaphore, #tpu.memory_space<semaphore_mem>>) src(%dma_wait3A_1039 : memref<128x128xf32, #tpu.memory_space<vmem>>) dst(%dma_wait3A_1035 : memref<128x128xf32, #tpu.memory_space<hbm>>)
      %dma_wait3A_1040 = arith.constant 3 : i32
      %dma_wait3A_1041 = arith.constant 0 : i32
      %dma_wait3A_1042 = arith.constant 0 : i32
      %dma_wait3A_1043 = tpu.memref_slice %arg5[%dma_wait3A_1040, %dma_wait3A_1041, %dma_wait3A_1042] : memref<4x1x128xi32, #tpu.memory_space<vmem>> -> memref<1x1x128xi32, #tpu.memory_space<vmem>>
      %dma_wait3A_1044 = tpu.memref_squeeze %dma_wait3A_1043 : memref<1x1x128xi32, #tpu.memory_space<vmem>> -> memref<1x128xi32, #tpu.memory_space<vmem>>
      %dma_wait3A_1045 = arith.constant 0 : i32
      %dma_wait3A_1046 = arith.constant 0 : i32
      %dma_wait3A_1047 = tpu.memref_slice %arg2[%dma_wait3A_1045, %dma_wait3A_1046] : memref<25600x128xi32, #tpu.memory_space<hbm>> -> memref<1x128xi32, #tpu.memory_space<hbm>>
      %dma_wait3A_1048 = arith.constant 0 : i32
      %dma_wait3A_1049 = arith.constant 0 : i32
      %dma_wait3A_1050 = tpu.memref_slice %arg5[%dma_wait3A_1040, %dma_wait3A_1048, %dma_wait3A_1049] : memref<4x1x128xi32, #tpu.memory_space<vmem>> -> memref<1x1x128xi32, #tpu.memory_space<vmem>>
      %dma_wait3A_1051 = tpu.memref_squeeze %dma_wait3A_1050 : memref<1x1x128xi32, #tpu.memory_space<vmem>> -> memref<1x128xi32, #tpu.memory_space<vmem>>
      %dma_wait3A_1052 = arith.constant 0 : i32
      %dma_wait3A_1053 = arith.constant 0 : i32
      %dma_wait3A_1054 = tpu.memref_slice %arg2[%dma_wait3A_1052, %dma_wait3A_1053] : memref<25600x128xi32, #tpu.memory_space<hbm>> -> memref<1x128xi32, #tpu.memory_space<hbm>>
      tpu.wait_dma2 semaphore(%arg8 : memref<!tpu.dma_semaphore, #tpu.memory_space<semaphore_mem>>) src(%dma_wait3A_1054 : memref<1x128xi32, #tpu.memory_space<hbm>>) dst(%dma_wait3A_1051 : memref<1x128xi32, #tpu.memory_space<vmem>>)
      %dma_start3A_1055 = arith.constant 3 : i32
      %dma_start3A_1056 = arith.constant 0 : i32
      %dma_start3A_1057 = arith.constant 3 : i32
      %dma_start3A_1058 = arith.constant 0 : i32
      %dma_start3A_1059 = arith.constant 0 : i32
      %dma_start3A_1060 = tpu.memref_slice %arg6[%dma_start3A_1057, %dma_start3A_1058, %dma_start3A_1059] : memref<4x128x128xf32, #tpu.memory_space<vmem>> -> memref<1x128x128xf32, #tpu.memory_space<vmem>>
      %dma_start3A_1061 = tpu.memref_squeeze %dma_start3A_1060 : memref<1x128x128xf32, #tpu.memory_space<vmem>> -> memref<128x128xf32, #tpu.memory_space<vmem>>
      %dma_start3A_1062 = arith.constant 0 : i32
      %dma_start3A_1063 = tpu.memref_slice %arg5[%dma_start3A_1055, %dma_start3A_1056, %dma_start3A_1062] : memref<4x1x128xi32, #tpu.memory_space<vmem>> -> memref<1x1x128xi32, #tpu.memory_space<vmem>>
      %dma_start3A_1064 = tpu.memref_squeeze %dma_start3A_1063 : memref<1x1x128xi32, #tpu.memory_space<vmem>> -> memref<128xi32, #tpu.memory_space<vmem>>
      %dma_start3A_1065 = arith.constant 0 : i32
      %dma_start3A_1066 = arith.constant 0 : i32
      %dma_start3A_1067 = tpu.memref_slice %arg7[%dma_start3A_1065, %dma_start3A_1066] : memref<1024x128xf32, #tpu.memory_space<vmem_shared>> -> memref<1024x128xf32, #tpu.memory_space<vmem_shared>>
      tpu.enqueue_indirect_dma source(%dma_start3A_1067 : memref<1024x128xf32, #tpu.memory_space<vmem_shared>>) target(%dma_start3A_1061 : memref<128x128xf32, #tpu.memory_space<vmem>>) offsets(%dma_start3A_1064 : memref<128xi32, #tpu.memory_space<vmem>>) semaphore(%arg9 : memref<!tpu.dma_semaphore, #tpu.memory_space<semaphore_mem>>)
      %dma_wait3A_1068 = arith.constant 2 : i32
      %dma_wait3A_1069 = arith.constant 0 : i32
      %dma_wait3A_1070 = arith.constant 0 : i32
      %dma_wait3A_1071 = tpu.memref_slice %arg6[%dma_wait3A_1068, %dma_wait3A_1069, %dma_wait3A_1070] : memref<4x128x128xf32, #tpu.memory_space<vmem>> -> memref<1x128x128xf32, #tpu.memory_space<vmem>>
      %dma_wait3A_1072 = tpu.memref_squeeze %dma_wait3A_1071 : memref<1x128x128xf32, #tpu.memory_space<vmem>> -> memref<128x128xf32, #tpu.memory_space<vmem>>
      %dma_wait3A_1073 = arith.constant 0 : i32
      %dma_wait3A_1074 = arith.constant 0 : i32
      %dma_wait3A_1075 = tpu.memref_slice %arg3[%dma_wait3A_1073, %dma_wait3A_1074] : memref<1024x128xf32, #tpu.memory_space<hbm>> -> memref<128x128xf32, #tpu.memory_space<hbm>>
      %dma_wait3A_1076 = arith.constant 0 : i32
      %dma_wait3A_1077 = arith.constant 0 : i32
      %dma_wait3A_1078 = tpu.memref_slice %arg6[%dma_wait3A_1068, %dma_wait3A_1076, %dma_wait3A_1077] : memref<4x128x128xf32, #tpu.memory_space<vmem>> -> memref<1x128x128xf32, #tpu.memory_space<vmem>>
      %dma_wait3A_1079 = tpu.memref_squeeze %dma_wait3A_1078 : memref<1x128x128xf32, #tpu.memory_space<vmem>> -> memref<128x128xf32, #tpu.memory_space<vmem>>
      %dma_wait3A_1080 = arith.constant 0 : i32
      %dma_wait3A_1081 = arith.constant 0 : i32
      %dma_wait3A_1082 = tpu.memref_slice %arg3[%dma_wait3A_1080, %dma_wait3A_1081] : memref<1024x128xf32, #tpu.memory_space<hbm>> -> memref<128x128xf32, #tpu.memory_space<hbm>>
      tpu.wait_dma2 semaphore(%arg9 : memref<!tpu.dma_semaphore, #tpu.memory_space<semaphore_mem>>) src(%dma_wait3A_1082 : memref<128x128xf32, #tpu.memory_space<hbm>>) dst(%dma_wait3A_1079 : memref<128x128xf32, #tpu.memory_space<vmem>>)
      %add3A_1083 = arith.addi %mul3A_2, %add3A_1024 : i32
      %mul3A_1084 = arith.constant 128 : i32
      %mul3A_1085 = arith.muli %add3A_1083, %mul3A_1084 : i32
      %dma_start3A_1086 = arith.constant 2 : i32
      %dma_start3A_1087 = arith.constant 0 : i32
      %dma_start3A_1088 = arith.constant 0 : i32
      %dma_start3A_1089 = tpu.memref_slice %arg6[%dma_start3A_1086, %dma_start3A_1087, %dma_start3A_1088] : memref<4x128x128xf32, #tpu.memory_space<vmem>> -> memref<1x128x128xf32, #tpu.memory_space<vmem>>
      %dma_start3A_1090 = tpu.memref_squeeze %dma_start3A_1089 : memref<1x128x128xf32, #tpu.memory_space<vmem>> -> memref<128x128xf32, #tpu.memory_space<vmem>>
      %dma_start3A_1091 = arith.constant 0 : i32
      %dma_start3A_1092 = tpu.memref_slice %arg4[%mul3A_1085, %dma_start3A_1091] : memref<3276800x128xf32, #tpu.memory_space<hbm>> -> memref<128x128xf32, #tpu.memory_space<hbm>>
      %dma_start3A_1093 = arith.constant 0 : i32
      %dma_start3A_1094 = tpu.memref_slice %arg4[%mul3A_1085, %dma_start3A_1093] : memref<3276800x128xf32, #tpu.memory_space<hbm>> -> memref<128x128xf32, #tpu.memory_space<hbm>>
      %dma_start3A_1095 = arith.constant 0 : i32
      %dma_start3A_1096 = arith.constant 0 : i32
      %dma_start3A_1097 = tpu.memref_slice %arg6[%dma_start3A_1086, %dma_start3A_1095, %dma_start3A_1096] : memref<4x128x128xf32, #tpu.memory_space<vmem>> -> memref<1x128x128xf32, #tpu.memory_space<vmem>>
      %dma_start3A_1098 = tpu.memref_squeeze %dma_start3A_1097 : memref<1x128x128xf32, #tpu.memory_space<vmem>> -> memref<128x128xf32, #tpu.memory_space<vmem>>
      tpu.enqueue_dma source(%dma_start3A_1098 : memref<128x128xf32, #tpu.memory_space<vmem>>) target(%dma_start3A_1094 : memref<128x128xf32, #tpu.memory_space<hbm>>) target_semaphore(%arg10 : memref<!tpu.dma_semaphore, #tpu.memory_space<semaphore_mem>>)
      %add3A_1099 = arith.constant 4 : i32
      %add3A_1100 = arith.addi %add3A_1024, %add3A_1099 : i32
      %add3A_1101 = arith.addi %mul3A_2, %add3A_1100 : i32
      %dma_start3A_1102 = arith.constant 2 : i32
      %dma_start3A_1103 = arith.constant 0 : i32
      %dma_start3A_1104 = arith.constant 0 : i32
      %dma_start3A_1105 = tpu.memref_slice %arg5[%dma_start3A_1102, %dma_start3A_1103, %dma_start3A_1104] : memref<4x1x128xi32, #tpu.memory_space<vmem>> -> memref<1x1x128xi32, #tpu.memory_space<vmem>>
      %dma_start3A_1106 = tpu.memref_squeeze %dma_start3A_1105 : memref<1x1x128xi32, #tpu.memory_space<vmem>> -> memref<1x128xi32, #tpu.memory_space<vmem>>
      %dma_start3A_1107 = arith.constant 0 : i32
      %dma_start3A_1108 = tpu.memref_slice %arg2[%add3A_1101, %dma_start3A_1107] : memref<25600x128xi32, #tpu.memory_space<hbm>> -> memref<1x128xi32, #tpu.memory_space<hbm>>
      %dma_start3A_1109 = arith.constant 0 : i32
      %dma_start3A_1110 = arith.constant 0 : i32
      %dma_start3A_1111 = tpu.memref_slice %arg5[%dma_start3A_1102, %dma_start3A_1109, %dma_start3A_1110] : memref<4x1x128xi32, #tpu.memory_space<vmem>> -> memref<1x1x128xi32, #tpu.memory_space<vmem>>
      %dma_start3A_1112 = tpu.memref_squeeze %dma_start3A_1111 : memref<1x1x128xi32, #tpu.memory_space<vmem>> -> memref<1x128xi32, #tpu.memory_space<vmem>>
      %dma_start3A_1113 = arith.constant 0 : i32
      %dma_start3A_1114 = tpu.memref_slice %arg2[%add3A_1101, %dma_start3A_1113] : memref<25600x128xi32, #tpu.memory_space<hbm>> -> memref<1x128xi32, #tpu.memory_space<hbm>>
      tpu.enqueue_dma source(%dma_start3A_1114 : memref<1x128xi32, #tpu.memory_space<hbm>>) target(%dma_start3A_1112 : memref<1x128xi32, #tpu.memory_space<vmem>>) target_semaphore(%arg8 : memref<!tpu.dma_semaphore, #tpu.memory_space<semaphore_mem>>)
    }
    %scan3A_322 = arith.constant 198 : i32
    %dma_wait3A_323 = arith.constant 0 : i32
    %dma_wait3A_324 = arith.constant 0 : i32
    %dma_wait3A_325 = arith.constant 0 : i32
    %dma_wait3A_326 = tpu.memref_slice %arg6[%dma_wait3A_323, %dma_wait3A_324, %dma_wait3A_325] : memref<4x128x128xf32, #tpu.memory_space<vmem>> -> memref<1x128x128xf32, #tpu.memory_space<vmem>>
    %dma_wait3A_327 = tpu.memref_squeeze %dma_wait3A_326 : memref<1x128x128xf32, #tpu.memory_space<vmem>> -> memref<128x128xf32, #tpu.memory_space<vmem>>
    %dma_wait3A_328 = arith.constant 0 : i32
    %dma_wait3A_329 = arith.constant 0 : i32
    %dma_wait3A_330 = tpu.memref_slice %arg4[%dma_wait3A_328, %dma_wait3A_329] : memref<3276800x128xf32, #tpu.memory_space<hbm>> -> memref<128x128xf32, #tpu.memory_space<hbm>>
    %dma_wait3A_331 = arith.constant 0 : i32
    %dma_wait3A_332 = arith.constant 0 : i32
    %dma_wait3A_333 = tpu.memref_slice %arg4[%dma_wait3A_331, %dma_wait3A_332] : memref<3276800x128xf32, #tpu.memory_space<hbm>> -> memref<128x128xf32, #tpu.memory_space<hbm>>
    %dma_wait3A_334 = arith.constant 0 : i32
    %dma_wait3A_335 = arith.constant 0 : i32
    %dma_wait3A_336 = tpu.memref_slice %arg6[%dma_wait3A_323, %dma_wait3A_334, %dma_wait3A_335] : memref<4x128x128xf32, #tpu.memory_space<vmem>> -> memref<1x128x128xf32, #tpu.memory_space<vmem>>
    %dma_wait3A_337 = tpu.memref_squeeze %dma_wait3A_336 : memref<1x128x128xf32, #tpu.memory_space<vmem>> -> memref<128x128xf32, #tpu.memory_space<vmem>>
    tpu.wait_dma2 semaphore(%arg10 : memref<!tpu.dma_semaphore, #tpu.memory_space<semaphore_mem>>) src(%dma_wait3A_337 : memref<128x128xf32, #tpu.memory_space<vmem>>) dst(%dma_wait3A_333 : memref<128x128xf32, #tpu.memory_space<hbm>>)
    %dma_wait3A_338 = arith.constant 0 : i32
    %dma_wait3A_339 = arith.constant 0 : i32
    %dma_wait3A_340 = arith.constant 0 : i32
    %dma_wait3A_341 = tpu.memref_slice %arg5[%dma_wait3A_338, %dma_wait3A_339, %dma_wait3A_340] : memref<4x1x128xi32, #tpu.memory_space<vmem>> -> memref<1x1x128xi32, #tpu.memory_space<vmem>>
    %dma_wait3A_342 = tpu.memref_squeeze %dma_wait3A_341 : memref<1x1x128xi32, #tpu.memory_space<vmem>> -> memref<1x128xi32, #tpu.memory_space<vmem>>
    %dma_wait3A_343 = arith.constant 0 : i32
    %dma_wait3A_344 = arith.constant 0 : i32
    %dma_wait3A_345 = tpu.memref_slice %arg2[%dma_wait3A_343, %dma_wait3A_344] : memref<25600x128xi32, #tpu.memory_space<hbm>> -> memref<1x128xi32, #tpu.memory_space<hbm>>
    %dma_wait3A_346 = arith.constant 0 : i32
    %dma_wait3A_347 = arith.constant 0 : i32
    %dma_wait3A_348 = tpu.memref_slice %arg5[%dma_wait3A_338, %dma_wait3A_346, %dma_wait3A_347] : memref<4x1x128xi32, #tpu.memory_space<vmem>> -> memref<1x1x128xi32, #tpu.memory_space<vmem>>
    %dma_wait3A_349 = tpu.memref_squeeze %dma_wait3A_348 : memref<1x1x128xi32, #tpu.memory_space<vmem>> -> memref<1x128xi32, #tpu.memory_space<vmem>>
    %dma_wait3A_350 = arith.constant 0 : i32
    %dma_wait3A_351 = arith.constant 0 : i32
    %dma_wait3A_352 = tpu.memref_slice %arg2[%dma_wait3A_350, %dma_wait3A_351] : memref<25600x128xi32, #tpu.memory_space<hbm>> -> memref<1x128xi32, #tpu.memory_space<hbm>>
    tpu.wait_dma2 semaphore(%arg8 : memref<!tpu.dma_semaphore, #tpu.memory_space<semaphore_mem>>) src(%dma_wait3A_352 : memref<1x128xi32, #tpu.memory_space<hbm>>) dst(%dma_wait3A_349 : memref<1x128xi32, #tpu.memory_space<vmem>>)
    %dma_start3A_353 = arith.constant 0 : i32
    %dma_start3A_354 = arith.constant 0 : i32
    %dma_start3A_355 = arith.constant 0 : i32
    %dma_start3A_356 = arith.constant 0 : i32
    %dma_start3A_357 = arith.constant 0 : i32
    %dma_start3A_358 = tpu.memref_slice %arg6[%dma_start3A_355, %dma_start3A_356, %dma_start3A_357] : memref<4x128x128xf32, #tpu.memory_space<vmem>> -> memref<1x128x128xf32, #tpu.memory_space<vmem>>
    %dma_start3A_359 = tpu.memref_squeeze %dma_start3A_358 : memref<1x128x128xf32, #tpu.memory_space<vmem>> -> memref<128x128xf32, #tpu.memory_space<vmem>>
    %dma_start3A_360 = arith.constant 0 : i32
    %dma_start3A_361 = tpu.memref_slice %arg5[%dma_start3A_353, %dma_start3A_354, %dma_start3A_360] : memref<4x1x128xi32, #tpu.memory_space<vmem>> -> memref<1x1x128xi32, #tpu.memory_space<vmem>>
    %dma_start3A_362 = tpu.memref_squeeze %dma_start3A_361 : memref<1x1x128xi32, #tpu.memory_space<vmem>> -> memref<128xi32, #tpu.memory_space<vmem>>
    %dma_start3A_363 = arith.constant 0 : i32
    %dma_start3A_364 = arith.constant 0 : i32
    %dma_start3A_365 = tpu.memref_slice %arg7[%dma_start3A_363, %dma_start3A_364] : memref<1024x128xf32, #tpu.memory_space<vmem_shared>> -> memref<1024x128xf32, #tpu.memory_space<vmem_shared>>
    tpu.enqueue_indirect_dma source(%dma_start3A_365 : memref<1024x128xf32, #tpu.memory_space<vmem_shared>>) target(%dma_start3A_359 : memref<128x128xf32, #tpu.memory_space<vmem>>) offsets(%dma_start3A_362 : memref<128xi32, #tpu.memory_space<vmem>>) semaphore(%arg9 : memref<!tpu.dma_semaphore, #tpu.memory_space<semaphore_mem>>)
    %dma_wait3A_366 = arith.constant 3 : i32
    %dma_wait3A_367 = arith.constant 0 : i32
    %dma_wait3A_368 = arith.constant 0 : i32
    %dma_wait3A_369 = tpu.memref_slice %arg6[%dma_wait3A_366, %dma_wait3A_367, %dma_wait3A_368] : memref<4x128x128xf32, #tpu.memory_space<vmem>> -> memref<1x128x128xf32, #tpu.memory_space<vmem>>
    %dma_wait3A_370 = tpu.memref_squeeze %dma_wait3A_369 : memref<1x128x128xf32, #tpu.memory_space<vmem>> -> memref<128x128xf32, #tpu.memory_space<vmem>>
    %dma_wait3A_371 = arith.constant 0 : i32
    %dma_wait3A_372 = arith.constant 0 : i32
    %dma_wait3A_373 = tpu.memref_slice %arg3[%dma_wait3A_371, %dma_wait3A_372] : memref<1024x128xf32, #tpu.memory_space<hbm>> -> memref<128x128xf32, #tpu.memory_space<hbm>>
    %dma_wait3A_374 = arith.constant 0 : i32
    %dma_wait3A_375 = arith.constant 0 : i32
    %dma_wait3A_376 = tpu.memref_slice %arg6[%dma_wait3A_366, %dma_wait3A_374, %dma_wait3A_375] : memref<4x128x128xf32, #tpu.memory_space<vmem>> -> memref<1x128x128xf32, #tpu.memory_space<vmem>>
    %dma_wait3A_377 = tpu.memref_squeeze %dma_wait3A_376 : memref<1x128x128xf32, #tpu.memory_space<vmem>> -> memref<128x128xf32, #tpu.memory_space<vmem>>
    %dma_wait3A_378 = arith.constant 0 : i32
    %dma_wait3A_379 = arith.constant 0 : i32
    %dma_wait3A_380 = tpu.memref_slice %arg3[%dma_wait3A_378, %dma_wait3A_379] : memref<1024x128xf32, #tpu.memory_space<hbm>> -> memref<128x128xf32, #tpu.memory_space<hbm>>
    tpu.wait_dma2 semaphore(%arg9 : memref<!tpu.dma_semaphore, #tpu.memory_space<semaphore_mem>>) src(%dma_wait3A_380 : memref<128x128xf32, #tpu.memory_space<hbm>>) dst(%dma_wait3A_377 : memref<128x128xf32, #tpu.memory_space<vmem>>)
    %add3A_381 = arith.constant 795 : i32
    %add3A_382 = arith.addi %mul3A_2, %add3A_381 : i32
    %mul3A_383 = arith.constant 128 : i32
    %mul3A_384 = arith.muli %add3A_382, %mul3A_383 : i32
    %dma_start3A_385 = arith.constant 3 : i32
    %dma_start3A_386 = arith.constant 0 : i32
    %dma_start3A_387 = arith.constant 0 : i32
    %dma_start3A_388 = tpu.memref_slice %arg6[%dma_start3A_385, %dma_start3A_386, %dma_start3A_387] : memref<4x128x128xf32, #tpu.memory_space<vmem>> -> memref<1x128x128xf32, #tpu.memory_space<vmem>>
    %dma_start3A_389 = tpu.memref_squeeze %dma_start3A_388 : memref<1x128x128xf32, #tpu.memory_space<vmem>> -> memref<128x128xf32, #tpu.memory_space<vmem>>
    %dma_start3A_390 = arith.constant 0 : i32
    %dma_start3A_391 = tpu.memref_slice %arg4[%mul3A_384, %dma_start3A_390] : memref<3276800x128xf32, #tpu.memory_space<hbm>> -> memref<128x128xf32, #tpu.memory_space<hbm>>
    %dma_start3A_392 = arith.constant 0 : i32
    %dma_start3A_393 = tpu.memref_slice %arg4[%mul3A_384, %dma_start3A_392] : memref<3276800x128xf32, #tpu.memory_space<hbm>> -> memref<128x128xf32, #tpu.memory_space<hbm>>
    %dma_start3A_394 = arith.constant 0 : i32
    %dma_start3A_395 = arith.constant 0 : i32
    %dma_start3A_396 = tpu.memref_slice %arg6[%dma_start3A_385, %dma_start3A_394, %dma_start3A_395] : memref<4x128x128xf32, #tpu.memory_space<vmem>> -> memref<1x128x128xf32, #tpu.memory_space<vmem>>
    %dma_start3A_397 = tpu.memref_squeeze %dma_start3A_396 : memref<1x128x128xf32, #tpu.memory_space<vmem>> -> memref<128x128xf32, #tpu.memory_space<vmem>>
    tpu.enqueue_dma source(%dma_start3A_397 : memref<128x128xf32, #tpu.memory_space<vmem>>) target(%dma_start3A_393 : memref<128x128xf32, #tpu.memory_space<hbm>>) target_semaphore(%arg10 : memref<!tpu.dma_semaphore, #tpu.memory_space<semaphore_mem>>)
    %add3A_398 = arith.constant 799 : i32
    %add3A_399 = arith.addi %mul3A_2, %add3A_398 : i32
    %dma_start3A_400 = arith.constant 3 : i32
    %dma_start3A_401 = arith.constant 0 : i32
    %dma_start3A_402 = arith.constant 0 : i32
    %dma_start3A_403 = tpu.memref_slice %arg5[%dma_start3A_400, %dma_start3A_401, %dma_start3A_402] : memref<4x1x128xi32, #tpu.memory_space<vmem>> -> memref<1x1x128xi32, #tpu.memory_space<vmem>>
    %dma_start3A_404 = tpu.memref_squeeze %dma_start3A_403 : memref<1x1x128xi32, #tpu.memory_space<vmem>> -> memref<1x128xi32, #tpu.memory_space<vmem>>
    %dma_start3A_405 = arith.constant 0 : i32
    %dma_start3A_406 = tpu.memref_slice %arg2[%add3A_399, %dma_start3A_405] : memref<25600x128xi32, #tpu.memory_space<hbm>> -> memref<1x128xi32, #tpu.memory_space<hbm>>
    %dma_start3A_407 = arith.constant 0 : i32
    %dma_start3A_408 = arith.constant 0 : i32
    %dma_start3A_409 = tpu.memref_slice %arg5[%dma_start3A_400, %dma_start3A_407, %dma_start3A_408] : memref<4x1x128xi32, #tpu.memory_space<vmem>> -> memref<1x1x128xi32, #tpu.memory_space<vmem>>
    %dma_start3A_410 = tpu.memref_squeeze %dma_start3A_409 : memref<1x1x128xi32, #tpu.memory_space<vmem>> -> memref<1x128xi32, #tpu.memory_space<vmem>>
    %dma_start3A_411 = arith.constant 0 : i32
    %dma_start3A_412 = tpu.memref_slice %arg2[%add3A_399, %dma_start3A_411] : memref<25600x128xi32, #tpu.memory_space<hbm>> -> memref<1x128xi32, #tpu.memory_space<hbm>>
    tpu.enqueue_dma source(%dma_start3A_412 : memref<1x128xi32, #tpu.memory_space<hbm>>) target(%dma_start3A_410 : memref<1x128xi32, #tpu.memory_space<vmem>>) target_semaphore(%arg8 : memref<!tpu.dma_semaphore, #tpu.memory_space<semaphore_mem>>)
    %dma_wait3A_413 = arith.constant 1 : i32
    %dma_wait3A_414 = arith.constant 0 : i32
    %dma_wait3A_415 = arith.constant 0 : i32
    %dma_wait3A_416 = tpu.memref_slice %arg6[%dma_wait3A_413, %dma_wait3A_414, %dma_wait3A_415] : memref<4x128x128xf32, #tpu.memory_space<vmem>> -> memref<1x128x128xf32, #tpu.memory_space<vmem>>
    %dma_wait3A_417 = tpu.memref_squeeze %dma_wait3A_416 : memref<1x128x128xf32, #tpu.memory_space<vmem>> -> memref<128x128xf32, #tpu.memory_space<vmem>>
    %dma_wait3A_418 = arith.constant 0 : i32
    %dma_wait3A_419 = arith.constant 0 : i32
    %dma_wait3A_420 = tpu.memref_slice %arg4[%dma_wait3A_418, %dma_wait3A_419] : memref<3276800x128xf32, #tpu.memory_space<hbm>> -> memref<128x128xf32, #tpu.memory_space<hbm>>
    %dma_wait3A_421 = arith.constant 0 : i32
    %dma_wait3A_422 = arith.constant 0 : i32
    %dma_wait3A_423 = tpu.memref_slice %arg4[%dma_wait3A_421, %dma_wait3A_422] : memref<3276800x128xf32, #tpu.memory_space<hbm>> -> memref<128x128xf32, #tpu.memory_space<hbm>>
    %dma_wait3A_424 = arith.constant 0 : i32
    %dma_wait3A_425 = arith.constant 0 : i32
    %dma_wait3A_426 = tpu.memref_slice %arg6[%dma_wait3A_413, %dma_wait3A_424, %dma_wait3A_425] : memref<4x128x128xf32, #tpu.memory_space<vmem>> -> memref<1x128x128xf32, #tpu.memory_space<vmem>>
    %dma_wait3A_427 = tpu.memref_squeeze %dma_wait3A_426 : memref<1x128x128xf32, #tpu.memory_space<vmem>> -> memref<128x128xf32, #tpu.memory_space<vmem>>
    tpu.wait_dma2 semaphore(%arg10 : memref<!tpu.dma_semaphore, #tpu.memory_space<semaphore_mem>>) src(%dma_wait3A_427 : memref<128x128xf32, #tpu.memory_space<vmem>>) dst(%dma_wait3A_423 : memref<128x128xf32, #tpu.memory_space<hbm>>)
    %dma_wait3A_428 = arith.constant 1 : i32
    %dma_wait3A_429 = arith.constant 0 : i32
    %dma_wait3A_430 = arith.constant 0 : i32
    %dma_wait3A_431 = tpu.memref_slice %arg5[%dma_wait3A_428, %dma_wait3A_429, %dma_wait3A_430] : memref<4x1x128xi32, #tpu.memory_space<vmem>> -> memref<1x1x128xi32, #tpu.memory_space<vmem>>
    %dma_wait3A_432 = tpu.memref_squeeze %dma_wait3A_431 : memref<1x1x128xi32, #tpu.memory_space<vmem>> -> memref<1x128xi32, #tpu.memory_space<vmem>>
    %dma_wait3A_433 = arith.constant 0 : i32
    %dma_wait3A_434 = arith.constant 0 : i32
    %dma_wait3A_435 = tpu.memref_slice %arg2[%dma_wait3A_433, %dma_wait3A_434] : memref<25600x128xi32, #tpu.memory_space<hbm>> -> memref<1x128xi32, #tpu.memory_space<hbm>>
    %dma_wait3A_436 = arith.constant 0 : i32
    %dma_wait3A_437 = arith.constant 0 : i32
    %dma_wait3A_438 = tpu.memref_slice %arg5[%dma_wait3A_428, %dma_wait3A_436, %dma_wait3A_437] : memref<4x1x128xi32, #tpu.memory_space<vmem>> -> memref<1x1x128xi32, #tpu.memory_space<vmem>>
    %dma_wait3A_439 = tpu.memref_squeeze %dma_wait3A_438 : memref<1x1x128xi32, #tpu.memory_space<vmem>> -> memref<1x128xi32, #tpu.memory_space<vmem>>
    %dma_wait3A_440 = arith.constant 0 : i32
    %dma_wait3A_441 = arith.constant 0 : i32
    %dma_wait3A_442 = tpu.memref_slice %arg2[%dma_wait3A_440, %dma_wait3A_441] : memref<25600x128xi32, #tpu.memory_space<hbm>> -> memref<1x128xi32, #tpu.memory_space<hbm>>
    tpu.wait_dma2 semaphore(%arg8 : memref<!tpu.dma_semaphore, #tpu.memory_space<semaphore_mem>>) src(%dma_wait3A_442 : memref<1x128xi32, #tpu.memory_space<hbm>>) dst(%dma_wait3A_439 : memref<1x128xi32, #tpu.memory_space<vmem>>)
    %dma_start3A_443 = arith.constant 1 : i32
    %dma_start3A_444 = arith.constant 0 : i32
    %dma_start3A_445 = arith.constant 1 : i32
    %dma_start3A_446 = arith.constant 0 : i32
    %dma_start3A_447 = arith.constant 0 : i32
    %dma_start3A_448 = tpu.memref_slice %arg6[%dma_start3A_445, %dma_start3A_446, %dma_start3A_447] : memref<4x128x128xf32, #tpu.memory_space<vmem>> -> memref<1x128x128xf32, #tpu.memory_space<vmem>>
    %dma_start3A_449 = tpu.memref_squeeze %dma_start3A_448 : memref<1x128x128xf32, #tpu.memory_space<vmem>> -> memref<128x128xf32, #tpu.memory_space<vmem>>
    %dma_start3A_450 = arith.constant 0 : i32
    %dma_start3A_451 = tpu.memref_slice %arg5[%dma_start3A_443, %dma_start3A_444, %dma_start3A_450] : memref<4x1x128xi32, #tpu.memory_space<vmem>> -> memref<1x1x128xi32, #tpu.memory_space<vmem>>
    %dma_start3A_452 = tpu.memref_squeeze %dma_start3A_451 : memref<1x1x128xi32, #tpu.memory_space<vmem>> -> memref<128xi32, #tpu.memory_space<vmem>>
    %dma_start3A_453 = arith.constant 0 : i32
    %dma_start3A_454 = arith.constant 0 : i32
    %dma_start3A_455 = tpu.memref_slice %arg7[%dma_start3A_453, %dma_start3A_454] : memref<1024x128xf32, #tpu.memory_space<vmem_shared>> -> memref<1024x128xf32, #tpu.memory_space<vmem_shared>>
    tpu.enqueue_indirect_dma source(%dma_start3A_455 : memref<1024x128xf32, #tpu.memory_space<vmem_shared>>) target(%dma_start3A_449 : memref<128x128xf32, #tpu.memory_space<vmem>>) offsets(%dma_start3A_452 : memref<128xi32, #tpu.memory_space<vmem>>) semaphore(%arg9 : memref<!tpu.dma_semaphore, #tpu.memory_space<semaphore_mem>>)
    %dma_wait3A_456 = arith.constant 0 : i32
    %dma_wait3A_457 = arith.constant 0 : i32
    %dma_wait3A_458 = arith.constant 0 : i32
    %dma_wait3A_459 = tpu.memref_slice %arg6[%dma_wait3A_456, %dma_wait3A_457, %dma_wait3A_458] : memref<4x128x128xf32, #tpu.memory_space<vmem>> -> memref<1x128x128xf32, #tpu.memory_space<vmem>>
    %dma_wait3A_460 = tpu.memref_squeeze %dma_wait3A_459 : memref<1x128x128xf32, #tpu.memory_space<vmem>> -> memref<128x128xf32, #tpu.memory_space<vmem>>
    %dma_wait3A_461 = arith.constant 0 : i32
    %dma_wait3A_462 = arith.constant 0 : i32
    %dma_wait3A_463 = tpu.memref_slice %arg3[%dma_wait3A_461, %dma_wait3A_462] : memref<1024x128xf32, #tpu.memory_space<hbm>> -> memref<128x128xf32, #tpu.memory_space<hbm>>
    %dma_wait3A_464 = arith.constant 0 : i32
    %dma_wait3A_465 = arith.constant 0 : i32
    %dma_wait3A_466 = tpu.memref_slice %arg6[%dma_wait3A_456, %dma_wait3A_464, %dma_wait3A_465] : memref<4x128x128xf32, #tpu.memory_space<vmem>> -> memref<1x128x128xf32, #tpu.memory_space<vmem>>
    %dma_wait3A_467 = tpu.memref_squeeze %dma_wait3A_466 : memref<1x128x128xf32, #tpu.memory_space<vmem>> -> memref<128x128xf32, #tpu.memory_space<vmem>>
    %dma_wait3A_468 = arith.constant 0 : i32
    %dma_wait3A_469 = arith.constant 0 : i32
    %dma_wait3A_470 = tpu.memref_slice %arg3[%dma_wait3A_468, %dma_wait3A_469] : memref<1024x128xf32, #tpu.memory_space<hbm>> -> memref<128x128xf32, #tpu.memory_space<hbm>>
    tpu.wait_dma2 semaphore(%arg9 : memref<!tpu.dma_semaphore, #tpu.memory_space<semaphore_mem>>) src(%dma_wait3A_470 : memref<128x128xf32, #tpu.memory_space<hbm>>) dst(%dma_wait3A_467 : memref<128x128xf32, #tpu.memory_space<vmem>>)
    %add3A_471 = arith.constant 796 : i32
    %add3A_472 = arith.addi %mul3A_2, %add3A_471 : i32
    %mul3A_473 = arith.constant 128 : i32
    %mul3A_474 = arith.muli %add3A_472, %mul3A_473 : i32
    %dma_start3A_475 = arith.constant 0 : i32
    %dma_start3A_476 = arith.constant 0 : i32
    %dma_start3A_477 = arith.constant 0 : i32
    %dma_start3A_478 = tpu.memref_slice %arg6[%dma_start3A_475, %dma_start3A_476, %dma_start3A_477] : memref<4x128x128xf32, #tpu.memory_space<vmem>> -> memref<1x128x128xf32, #tpu.memory_space<vmem>>
    %dma_start3A_479 = tpu.memref_squeeze %dma_start3A_478 : memref<1x128x128xf32, #tpu.memory_space<vmem>> -> memref<128x128xf32, #tpu.memory_space<vmem>>
    %dma_start3A_480 = arith.constant 0 : i32
    %dma_start3A_481 = tpu.memref_slice %arg4[%mul3A_474, %dma_start3A_480] : memref<3276800x128xf32, #tpu.memory_space<hbm>> -> memref<128x128xf32, #tpu.memory_space<hbm>>
    %dma_start3A_482 = arith.constant 0 : i32
    %dma_start3A_483 = tpu.memref_slice %arg4[%mul3A_474, %dma_start3A_482] : memref<3276800x128xf32, #tpu.memory_space<hbm>> -> memref<128x128xf32, #tpu.memory_space<hbm>>
    %dma_start3A_484 = arith.constant 0 : i32
    %dma_start3A_485 = arith.constant 0 : i32
    %dma_start3A_486 = tpu.memref_slice %arg6[%dma_start3A_475, %dma_start3A_484, %dma_start3A_485] : memref<4x128x128xf32, #tpu.memory_space<vmem>> -> memref<1x128x128xf32, #tpu.memory_space<vmem>>
    %dma_start3A_487 = tpu.memref_squeeze %dma_start3A_486 : memref<1x128x128xf32, #tpu.memory_space<vmem>> -> memref<128x128xf32, #tpu.memory_space<vmem>>
    tpu.enqueue_dma source(%dma_start3A_487 : memref<128x128xf32, #tpu.memory_space<vmem>>) target(%dma_start3A_483 : memref<128x128xf32, #tpu.memory_space<hbm>>) target_semaphore(%arg10 : memref<!tpu.dma_semaphore, #tpu.memory_space<semaphore_mem>>)
    %dma_wait3A_488 = arith.constant 2 : i32
    %dma_wait3A_489 = arith.constant 0 : i32
    %dma_wait3A_490 = arith.constant 0 : i32
    %dma_wait3A_491 = tpu.memref_slice %arg6[%dma_wait3A_488, %dma_wait3A_489, %dma_wait3A_490] : memref<4x128x128xf32, #tpu.memory_space<vmem>> -> memref<1x128x128xf32, #tpu.memory_space<vmem>>
    %dma_wait3A_492 = tpu.memref_squeeze %dma_wait3A_491 : memref<1x128x128xf32, #tpu.memory_space<vmem>> -> memref<128x128xf32, #tpu.memory_space<vmem>>
    %dma_wait3A_493 = arith.constant 0 : i32
    %dma_wait3A_494 = arith.constant 0 : i32
    %dma_wait3A_495 = tpu.memref_slice %arg4[%dma_wait3A_493, %dma_wait3A_494] : memref<3276800x128xf32, #tpu.memory_space<hbm>> -> memref<128x128xf32, #tpu.memory_space<hbm>>
    %dma_wait3A_496 = arith.constant 0 : i32
    %dma_wait3A_497 = arith.constant 0 : i32
    %dma_wait3A_498 = tpu.memref_slice %arg4[%dma_wait3A_496, %dma_wait3A_497] : memref<3276800x128xf32, #tpu.memory_space<hbm>> -> memref<128x128xf32, #tpu.memory_space<hbm>>
    %dma_wait3A_499 = arith.constant 0 : i32
    %dma_wait3A_500 = arith.constant 0 : i32
    %dma_wait3A_501 = tpu.memref_slice %arg6[%dma_wait3A_488, %dma_wait3A_499, %dma_wait3A_500] : memref<4x128x128xf32, #tpu.memory_space<vmem>> -> memref<1x128x128xf32, #tpu.memory_space<vmem>>
    %dma_wait3A_502 = tpu.memref_squeeze %dma_wait3A_501 : memref<1x128x128xf32, #tpu.memory_space<vmem>> -> memref<128x128xf32, #tpu.memory_space<vmem>>
    tpu.wait_dma2 semaphore(%arg10 : memref<!tpu.dma_semaphore, #tpu.memory_space<semaphore_mem>>) src(%dma_wait3A_502 : memref<128x128xf32, #tpu.memory_space<vmem>>) dst(%dma_wait3A_498 : memref<128x128xf32, #tpu.memory_space<hbm>>)
    %dma_wait3A_503 = arith.constant 2 : i32
    %dma_wait3A_504 = arith.constant 0 : i32
    %dma_wait3A_505 = arith.constant 0 : i32
    %dma_wait3A_506 = tpu.memref_slice %arg5[%dma_wait3A_503, %dma_wait3A_504, %dma_wait3A_505] : memref<4x1x128xi32, #tpu.memory_space<vmem>> -> memref<1x1x128xi32, #tpu.memory_space<vmem>>
    %dma_wait3A_507 = tpu.memref_squeeze %dma_wait3A_506 : memref<1x1x128xi32, #tpu.memory_space<vmem>> -> memref<1x128xi32, #tpu.memory_space<vmem>>
    %dma_wait3A_508 = arith.constant 0 : i32
    %dma_wait3A_509 = arith.constant 0 : i32
    %dma_wait3A_510 = tpu.memref_slice %arg2[%dma_wait3A_508, %dma_wait3A_509] : memref<25600x128xi32, #tpu.memory_space<hbm>> -> memref<1x128xi32, #tpu.memory_space<hbm>>
    %dma_wait3A_511 = arith.constant 0 : i32
    %dma_wait3A_512 = arith.constant 0 : i32
    %dma_wait3A_513 = tpu.memref_slice %arg5[%dma_wait3A_503, %dma_wait3A_511, %dma_wait3A_512] : memref<4x1x128xi32, #tpu.memory_space<vmem>> -> memref<1x1x128xi32, #tpu.memory_space<vmem>>
    %dma_wait3A_514 = tpu.memref_squeeze %dma_wait3A_513 : memref<1x1x128xi32, #tpu.memory_space<vmem>> -> memref<1x128xi32, #tpu.memory_space<vmem>>
    %dma_wait3A_515 = arith.constant 0 : i32
    %dma_wait3A_516 = arith.constant 0 : i32
    %dma_wait3A_517 = tpu.memref_slice %arg2[%dma_wait3A_515, %dma_wait3A_516] : memref<25600x128xi32, #tpu.memory_space<hbm>> -> memref<1x128xi32, #tpu.memory_space<hbm>>
    tpu.wait_dma2 semaphore(%arg8 : memref<!tpu.dma_semaphore, #tpu.memory_space<semaphore_mem>>) src(%dma_wait3A_517 : memref<1x128xi32, #tpu.memory_space<hbm>>) dst(%dma_wait3A_514 : memref<1x128xi32, #tpu.memory_space<vmem>>)
    %dma_start3A_518 = arith.constant 2 : i32
    %dma_start3A_519 = arith.constant 0 : i32
    %dma_start3A_520 = arith.constant 2 : i32
    %dma_start3A_521 = arith.constant 0 : i32
    %dma_start3A_522 = arith.constant 0 : i32
    %dma_start3A_523 = tpu.memref_slice %arg6[%dma_start3A_520, %dma_start3A_521, %dma_start3A_522] : memref<4x128x128xf32, #tpu.memory_space<vmem>> -> memref<1x128x128xf32, #tpu.memory_space<vmem>>
    %dma_start3A_524 = tpu.memref_squeeze %dma_start3A_523 : memref<1x128x128xf32, #tpu.memory_space<vmem>> -> memref<128x128xf32, #tpu.memory_space<vmem>>
    %dma_start3A_525 = arith.constant 0 : i32
    %dma_start3A_526 = tpu.memref_slice %arg5[%dma_start3A_518, %dma_start3A_519, %dma_start3A_525] : memref<4x1x128xi32, #tpu.memory_space<vmem>> -> memref<1x1x128xi32, #tpu.memory_space<vmem>>
    %dma_start3A_527 = tpu.memref_squeeze %dma_start3A_526 : memref<1x1x128xi32, #tpu.memory_space<vmem>> -> memref<128xi32, #tpu.memory_space<vmem>>
    %dma_start3A_528 = arith.constant 0 : i32
    %dma_start3A_529 = arith.constant 0 : i32
    %dma_start3A_530 = tpu.memref_slice %arg7[%dma_start3A_528, %dma_start3A_529] : memref<1024x128xf32, #tpu.memory_space<vmem_shared>> -> memref<1024x128xf32, #tpu.memory_space<vmem_shared>>
    tpu.enqueue_indirect_dma source(%dma_start3A_530 : memref<1024x128xf32, #tpu.memory_space<vmem_shared>>) target(%dma_start3A_524 : memref<128x128xf32, #tpu.memory_space<vmem>>) offsets(%dma_start3A_527 : memref<128xi32, #tpu.memory_space<vmem>>) semaphore(%arg9 : memref<!tpu.dma_semaphore, #tpu.memory_space<semaphore_mem>>)
    %dma_wait3A_531 = arith.constant 1 : i32
    %dma_wait3A_532 = arith.constant 0 : i32
    %dma_wait3A_533 = arith.constant 0 : i32
    %dma_wait3A_534 = tpu.memref_slice %arg6[%dma_wait3A_531, %dma_wait3A_532, %dma_wait3A_533] : memref<4x128x128xf32, #tpu.memory_space<vmem>> -> memref<1x128x128xf32, #tpu.memory_space<vmem>>
    %dma_wait3A_535 = tpu.memref_squeeze %dma_wait3A_534 : memref<1x128x128xf32, #tpu.memory_space<vmem>> -> memref<128x128xf32, #tpu.memory_space<vmem>>
    %dma_wait3A_536 = arith.constant 0 : i32
    %dma_wait3A_537 = arith.constant 0 : i32
    %dma_wait3A_538 = tpu.memref_slice %arg3[%dma_wait3A_536, %dma_wait3A_537] : memref<1024x128xf32, #tpu.memory_space<hbm>> -> memref<128x128xf32, #tpu.memory_space<hbm>>
    %dma_wait3A_539 = arith.constant 0 : i32
    %dma_wait3A_540 = arith.constant 0 : i32
    %dma_wait3A_541 = tpu.memref_slice %arg6[%dma_wait3A_531, %dma_wait3A_539, %dma_wait3A_540] : memref<4x128x128xf32, #tpu.memory_space<vmem>> -> memref<1x128x128xf32, #tpu.memory_space<vmem>>
    %dma_wait3A_542 = tpu.memref_squeeze %dma_wait3A_541 : memref<1x128x128xf32, #tpu.memory_space<vmem>> -> memref<128x128xf32, #tpu.memory_space<vmem>>
    %dma_wait3A_543 = arith.constant 0 : i32
    %dma_wait3A_544 = arith.constant 0 : i32
    %dma_wait3A_545 = tpu.memref_slice %arg3[%dma_wait3A_543, %dma_wait3A_544] : memref<1024x128xf32, #tpu.memory_space<hbm>> -> memref<128x128xf32, #tpu.memory_space<hbm>>
    tpu.wait_dma2 semaphore(%arg9 : memref<!tpu.dma_semaphore, #tpu.memory_space<semaphore_mem>>) src(%dma_wait3A_545 : memref<128x128xf32, #tpu.memory_space<hbm>>) dst(%dma_wait3A_542 : memref<128x128xf32, #tpu.memory_space<vmem>>)
    %add3A_546 = arith.constant 797 : i32
    %add3A_547 = arith.addi %mul3A_2, %add3A_546 : i32
    %mul3A_548 = arith.constant 128 : i32
    %mul3A_549 = arith.muli %add3A_547, %mul3A_548 : i32
    %dma_start3A_550 = arith.constant 1 : i32
    %dma_start3A_551 = arith.constant 0 : i32
    %dma_start3A_552 = arith.constant 0 : i32
    %dma_start3A_553 = tpu.memref_slice %arg6[%dma_start3A_550, %dma_start3A_551, %dma_start3A_552] : memref<4x128x128xf32, #tpu.memory_space<vmem>> -> memref<1x128x128xf32, #tpu.memory_space<vmem>>
    %dma_start3A_554 = tpu.memref_squeeze %dma_start3A_553 : memref<1x128x128xf32, #tpu.memory_space<vmem>> -> memref<128x128xf32, #tpu.memory_space<vmem>>
    %dma_start3A_555 = arith.constant 0 : i32
    %dma_start3A_556 = tpu.memref_slice %arg4[%mul3A_549, %dma_start3A_555] : memref<3276800x128xf32, #tpu.memory_space<hbm>> -> memref<128x128xf32, #tpu.memory_space<hbm>>
    %dma_start3A_557 = arith.constant 0 : i32
    %dma_start3A_558 = tpu.memref_slice %arg4[%mul3A_549, %dma_start3A_557] : memref<3276800x128xf32, #tpu.memory_space<hbm>> -> memref<128x128xf32, #tpu.memory_space<hbm>>
    %dma_start3A_559 = arith.constant 0 : i32
    %dma_start3A_560 = arith.constant 0 : i32
    %dma_start3A_561 = tpu.memref_slice %arg6[%dma_start3A_550, %dma_start3A_559, %dma_start3A_560] : memref<4x128x128xf32, #tpu.memory_space<vmem>> -> memref<1x128x128xf32, #tpu.memory_space<vmem>>
    %dma_start3A_562 = tpu.memref_squeeze %dma_start3A_561 : memref<1x128x128xf32, #tpu.memory_space<vmem>> -> memref<128x128xf32, #tpu.memory_space<vmem>>
    tpu.enqueue_dma source(%dma_start3A_562 : memref<128x128xf32, #tpu.memory_space<vmem>>) target(%dma_start3A_558 : memref<128x128xf32, #tpu.memory_space<hbm>>) target_semaphore(%arg10 : memref<!tpu.dma_semaphore, #tpu.memory_space<semaphore_mem>>)
    %dma_wait3A_563 = arith.constant 3 : i32
    %dma_wait3A_564 = arith.constant 0 : i32
    %dma_wait3A_565 = arith.constant 0 : i32
    %dma_wait3A_566 = tpu.memref_slice %arg6[%dma_wait3A_563, %dma_wait3A_564, %dma_wait3A_565] : memref<4x128x128xf32, #tpu.memory_space<vmem>> -> memref<1x128x128xf32, #tpu.memory_space<vmem>>
    %dma_wait3A_567 = tpu.memref_squeeze %dma_wait3A_566 : memref<1x128x128xf32, #tpu.memory_space<vmem>> -> memref<128x128xf32, #tpu.memory_space<vmem>>
    %dma_wait3A_568 = arith.constant 0 : i32
    %dma_wait3A_569 = arith.constant 0 : i32
    %dma_wait3A_570 = tpu.memref_slice %arg4[%dma_wait3A_568, %dma_wait3A_569] : memref<3276800x128xf32, #tpu.memory_space<hbm>> -> memref<128x128xf32, #tpu.memory_space<hbm>>
    %dma_wait3A_571 = arith.constant 0 : i32
    %dma_wait3A_572 = arith.constant 0 : i32
    %dma_wait3A_573 = tpu.memref_slice %arg4[%dma_wait3A_571, %dma_wait3A_572] : memref<3276800x128xf32, #tpu.memory_space<hbm>> -> memref<128x128xf32, #tpu.memory_space<hbm>>
    %dma_wait3A_574 = arith.constant 0 : i32
    %dma_wait3A_575 = arith.constant 0 : i32
    %dma_wait3A_576 = tpu.memref_slice %arg6[%dma_wait3A_563, %dma_wait3A_574, %dma_wait3A_575] : memref<4x128x128xf32, #tpu.memory_space<vmem>> -> memref<1x128x128xf32, #tpu.memory_space<vmem>>
    %dma_wait3A_577 = tpu.memref_squeeze %dma_wait3A_576 : memref<1x128x128xf32, #tpu.memory_space<vmem>> -> memref<128x128xf32, #tpu.memory_space<vmem>>
    tpu.wait_dma2 semaphore(%arg10 : memref<!tpu.dma_semaphore, #tpu.memory_space<semaphore_mem>>) src(%dma_wait3A_577 : memref<128x128xf32, #tpu.memory_space<vmem>>) dst(%dma_wait3A_573 : memref<128x128xf32, #tpu.memory_space<hbm>>)
    %dma_wait3A_578 = arith.constant 3 : i32
    %dma_wait3A_579 = arith.constant 0 : i32
    %dma_wait3A_580 = arith.constant 0 : i32
    %dma_wait3A_581 = tpu.memref_slice %arg5[%dma_wait3A_578, %dma_wait3A_579, %dma_wait3A_580] : memref<4x1x128xi32, #tpu.memory_space<vmem>> -> memref<1x1x128xi32, #tpu.memory_space<vmem>>
    %dma_wait3A_582 = tpu.memref_squeeze %dma_wait3A_581 : memref<1x1x128xi32, #tpu.memory_space<vmem>> -> memref<1x128xi32, #tpu.memory_space<vmem>>
    %dma_wait3A_583 = arith.constant 0 : i32
    %dma_wait3A_584 = arith.constant 0 : i32
    %dma_wait3A_585 = tpu.memref_slice %arg2[%dma_wait3A_583, %dma_wait3A_584] : memref<25600x128xi32, #tpu.memory_space<hbm>> -> memref<1x128xi32, #tpu.memory_space<hbm>>
    %dma_wait3A_586 = arith.constant 0 : i32
    %dma_wait3A_587 = arith.constant 0 : i32
    %dma_wait3A_588 = tpu.memref_slice %arg5[%dma_wait3A_578, %dma_wait3A_586, %dma_wait3A_587] : memref<4x1x128xi32, #tpu.memory_space<vmem>> -> memref<1x1x128xi32, #tpu.memory_space<vmem>>
    %dma_wait3A_589 = tpu.memref_squeeze %dma_wait3A_588 : memref<1x1x128xi32, #tpu.memory_space<vmem>> -> memref<1x128xi32, #tpu.memory_space<vmem>>
    %dma_wait3A_590 = arith.constant 0 : i32
    %dma_wait3A_591 = arith.constant 0 : i32
    %dma_wait3A_592 = tpu.memref_slice %arg2[%dma_wait3A_590, %dma_wait3A_591] : memref<25600x128xi32, #tpu.memory_space<hbm>> -> memref<1x128xi32, #tpu.memory_space<hbm>>
    tpu.wait_dma2 semaphore(%arg8 : memref<!tpu.dma_semaphore, #tpu.memory_space<semaphore_mem>>) src(%dma_wait3A_592 : memref<1x128xi32, #tpu.memory_space<hbm>>) dst(%dma_wait3A_589 : memref<1x128xi32, #tpu.memory_space<vmem>>)
    %dma_start3A_593 = arith.constant 3 : i32
    %dma_start3A_594 = arith.constant 0 : i32
    %dma_start3A_595 = arith.constant 3 : i32
    %dma_start3A_596 = arith.constant 0 : i32
    %dma_start3A_597 = arith.constant 0 : i32
    %dma_start3A_598 = tpu.memref_slice %arg6[%dma_start3A_595, %dma_start3A_596, %dma_start3A_597] : memref<4x128x128xf32, #tpu.memory_space<vmem>> -> memref<1x128x128xf32, #tpu.memory_space<vmem>>
    %dma_start3A_599 = tpu.memref_squeeze %dma_start3A_598 : memref<1x128x128xf32, #tpu.memory_space<vmem>> -> memref<128x128xf32, #tpu.memory_space<vmem>>
    %dma_start3A_600 = arith.constant 0 : i32
    %dma_start3A_601 = tpu.memref_slice %arg5[%dma_start3A_593, %dma_start3A_594, %dma_start3A_600] : memref<4x1x128xi32, #tpu.memory_space<vmem>> -> memref<1x1x128xi32, #tpu.memory_space<vmem>>
    %dma_start3A_602 = tpu.memref_squeeze %dma_start3A_601 : memref<1x1x128xi32, #tpu.memory_space<vmem>> -> memref<128xi32, #tpu.memory_space<vmem>>
    %dma_start3A_603 = arith.constant 0 : i32
    %dma_start3A_604 = arith.constant 0 : i32
    %dma_start3A_605 = tpu.memref_slice %arg7[%dma_start3A_603, %dma_start3A_604] : memref<1024x128xf32, #tpu.memory_space<vmem_shared>> -> memref<1024x128xf32, #tpu.memory_space<vmem_shared>>
    tpu.enqueue_indirect_dma source(%dma_start3A_605 : memref<1024x128xf32, #tpu.memory_space<vmem_shared>>) target(%dma_start3A_599 : memref<128x128xf32, #tpu.memory_space<vmem>>) offsets(%dma_start3A_602 : memref<128xi32, #tpu.memory_space<vmem>>) semaphore(%arg9 : memref<!tpu.dma_semaphore, #tpu.memory_space<semaphore_mem>>)
    %dma_wait3A_606 = arith.constant 2 : i32
    %dma_wait3A_607 = arith.constant 0 : i32
    %dma_wait3A_608 = arith.constant 0 : i32
    %dma_wait3A_609 = tpu.memref_slice %arg6[%dma_wait3A_606, %dma_wait3A_607, %dma_wait3A_608] : memref<4x128x128xf32, #tpu.memory_space<vmem>> -> memref<1x128x128xf32, #tpu.memory_space<vmem>>
    %dma_wait3A_610 = tpu.memref_squeeze %dma_wait3A_609 : memref<1x128x128xf32, #tpu.memory_space<vmem>> -> memref<128x128xf32, #tpu.memory_space<vmem>>
    %dma_wait3A_611 = arith.constant 0 : i32
    %dma_wait3A_612 = arith.constant 0 : i32
    %dma_wait3A_613 = tpu.memref_slice %arg3[%dma_wait3A_611, %dma_wait3A_612] : memref<1024x128xf32, #tpu.memory_space<hbm>> -> memref<128x128xf32, #tpu.memory_space<hbm>>
    %dma_wait3A_614 = arith.constant 0 : i32
    %dma_wait3A_615 = arith.constant 0 : i32
    %dma_wait3A_616 = tpu.memref_slice %arg6[%dma_wait3A_606, %dma_wait3A_614, %dma_wait3A_615] : memref<4x128x128xf32, #tpu.memory_space<vmem>> -> memref<1x128x128xf32, #tpu.memory_space<vmem>>
    %dma_wait3A_617 = tpu.memref_squeeze %dma_wait3A_616 : memref<1x128x128xf32, #tpu.memory_space<vmem>> -> memref<128x128xf32, #tpu.memory_space<vmem>>
    %dma_wait3A_618 = arith.constant 0 : i32
    %dma_wait3A_619 = arith.constant 0 : i32
    %dma_wait3A_620 = tpu.memref_slice %arg3[%dma_wait3A_618, %dma_wait3A_619] : memref<1024x128xf32, #tpu.memory_space<hbm>> -> memref<128x128xf32, #tpu.memory_space<hbm>>
    tpu.wait_dma2 semaphore(%arg9 : memref<!tpu.dma_semaphore, #tpu.memory_space<semaphore_mem>>) src(%dma_wait3A_620 : memref<128x128xf32, #tpu.memory_space<hbm>>) dst(%dma_wait3A_617 : memref<128x128xf32, #tpu.memory_space<vmem>>)
    %add3A_621 = arith.constant 798 : i32
    %add3A_622 = arith.addi %mul3A_2, %add3A_621 : i32
    %mul3A_623 = arith.constant 128 : i32
    %mul3A_624 = arith.muli %add3A_622, %mul3A_623 : i32
    %dma_start3A_625 = arith.constant 2 : i32
    %dma_start3A_626 = arith.constant 0 : i32
    %dma_start3A_627 = arith.constant 0 : i32
    %dma_start3A_628 = tpu.memref_slice %arg6[%dma_start3A_625, %dma_start3A_626, %dma_start3A_627] : memref<4x128x128xf32, #tpu.memory_space<vmem>> -> memref<1x128x128xf32, #tpu.memory_space<vmem>>
    %dma_start3A_629 = tpu.memref_squeeze %dma_start3A_628 : memref<1x128x128xf32, #tpu.memory_space<vmem>> -> memref<128x128xf32, #tpu.memory_space<vmem>>
    %dma_start3A_630 = arith.constant 0 : i32
    %dma_start3A_631 = tpu.memref_slice %arg4[%mul3A_624, %dma_start3A_630] : memref<3276800x128xf32, #tpu.memory_space<hbm>> -> memref<128x128xf32, #tpu.memory_space<hbm>>
    %dma_start3A_632 = arith.constant 0 : i32
    %dma_start3A_633 = tpu.memref_slice %arg4[%mul3A_624, %dma_start3A_632] : memref<3276800x128xf32, #tpu.memory_space<hbm>> -> memref<128x128xf32, #tpu.memory_space<hbm>>
    %dma_start3A_634 = arith.constant 0 : i32
    %dma_start3A_635 = arith.constant 0 : i32
    %dma_start3A_636 = tpu.memref_slice %arg6[%dma_start3A_625, %dma_start3A_634, %dma_start3A_635] : memref<4x128x128xf32, #tpu.memory_space<vmem>> -> memref<1x128x128xf32, #tpu.memory_space<vmem>>
    %dma_start3A_637 = tpu.memref_squeeze %dma_start3A_636 : memref<1x128x128xf32, #tpu.memory_space<vmem>> -> memref<128x128xf32, #tpu.memory_space<vmem>>
    tpu.enqueue_dma source(%dma_start3A_637 : memref<128x128xf32, #tpu.memory_space<vmem>>) target(%dma_start3A_633 : memref<128x128xf32, #tpu.memory_space<hbm>>) target_semaphore(%arg10 : memref<!tpu.dma_semaphore, #tpu.memory_space<semaphore_mem>>)
    %dma_wait3A_638 = arith.constant 0 : i32
    %dma_wait3A_639 = arith.constant 0 : i32
    %dma_wait3A_640 = arith.constant 0 : i32
    %dma_wait3A_641 = tpu.memref_slice %arg6[%dma_wait3A_638, %dma_wait3A_639, %dma_wait3A_640] : memref<4x128x128xf32, #tpu.memory_space<vmem>> -> memref<1x128x128xf32, #tpu.memory_space<vmem>>
    %dma_wait3A_642 = tpu.memref_squeeze %dma_wait3A_641 : memref<1x128x128xf32, #tpu.memory_space<vmem>> -> memref<128x128xf32, #tpu.memory_space<vmem>>
    %dma_wait3A_643 = arith.constant 0 : i32
    %dma_wait3A_644 = arith.constant 0 : i32
    %dma_wait3A_645 = tpu.memref_slice %arg4[%dma_wait3A_643, %dma_wait3A_644] : memref<3276800x128xf32, #tpu.memory_space<hbm>> -> memref<128x128xf32, #tpu.memory_space<hbm>>
    %dma_wait3A_646 = arith.constant 0 : i32
    %dma_wait3A_647 = arith.constant 0 : i32
    %dma_wait3A_648 = tpu.memref_slice %arg4[%dma_wait3A_646, %dma_wait3A_647] : memref<3276800x128xf32, #tpu.memory_space<hbm>> -> memref<128x128xf32, #tpu.memory_space<hbm>>
    %dma_wait3A_649 = arith.constant 0 : i32
    %dma_wait3A_650 = arith.constant 0 : i32
    %dma_wait3A_651 = tpu.memref_slice %arg6[%dma_wait3A_638, %dma_wait3A_649, %dma_wait3A_650] : memref<4x128x128xf32, #tpu.memory_space<vmem>> -> memref<1x128x128xf32, #tpu.memory_space<vmem>>
    %dma_wait3A_652 = tpu.memref_squeeze %dma_wait3A_651 : memref<1x128x128xf32, #tpu.memory_space<vmem>> -> memref<128x128xf32, #tpu.memory_space<vmem>>
    tpu.wait_dma2 semaphore(%arg10 : memref<!tpu.dma_semaphore, #tpu.memory_space<semaphore_mem>>) src(%dma_wait3A_652 : memref<128x128xf32, #tpu.memory_space<vmem>>) dst(%dma_wait3A_648 : memref<128x128xf32, #tpu.memory_space<hbm>>)
    %dma_wait3A_653 = arith.constant 3 : i32
    %dma_wait3A_654 = arith.constant 0 : i32
    %dma_wait3A_655 = arith.constant 0 : i32
    %dma_wait3A_656 = tpu.memref_slice %arg6[%dma_wait3A_653, %dma_wait3A_654, %dma_wait3A_655] : memref<4x128x128xf32, #tpu.memory_space<vmem>> -> memref<1x128x128xf32, #tpu.memory_space<vmem>>
    %dma_wait3A_657 = tpu.memref_squeeze %dma_wait3A_656 : memref<1x128x128xf32, #tpu.memory_space<vmem>> -> memref<128x128xf32, #tpu.memory_space<vmem>>
    %dma_wait3A_658 = arith.constant 0 : i32
    %dma_wait3A_659 = arith.constant 0 : i32
    %dma_wait3A_660 = tpu.memref_slice %arg3[%dma_wait3A_658, %dma_wait3A_659] : memref<1024x128xf32, #tpu.memory_space<hbm>> -> memref<128x128xf32, #tpu.memory_space<hbm>>
    %dma_wait3A_661 = arith.constant 0 : i32
    %dma_wait3A_662 = arith.constant 0 : i32
    %dma_wait3A_663 = tpu.memref_slice %arg6[%dma_wait3A_653, %dma_wait3A_661, %dma_wait3A_662] : memref<4x128x128xf32, #tpu.memory_space<vmem>> -> memref<1x128x128xf32, #tpu.memory_space<vmem>>
    %dma_wait3A_664 = tpu.memref_squeeze %dma_wait3A_663 : memref<1x128x128xf32, #tpu.memory_space<vmem>> -> memref<128x128xf32, #tpu.memory_space<vmem>>
    %dma_wait3A_665 = arith.constant 0 : i32
    %dma_wait3A_666 = arith.constant 0 : i32
    %dma_wait3A_667 = tpu.memref_slice %arg3[%dma_wait3A_665, %dma_wait3A_666] : memref<1024x128xf32, #tpu.memory_space<hbm>> -> memref<128x128xf32, #tpu.memory_space<hbm>>
    tpu.wait_dma2 semaphore(%arg9 : memref<!tpu.dma_semaphore, #tpu.memory_space<semaphore_mem>>) src(%dma_wait3A_667 : memref<128x128xf32, #tpu.memory_space<hbm>>) dst(%dma_wait3A_664 : memref<128x128xf32, #tpu.memory_space<vmem>>)
    %add3A_668 = arith.constant 799 : i32
    %add3A_669 = arith.addi %mul3A_2, %add3A_668 : i32
    %mul3A_670 = arith.constant 128 : i32
    %mul3A_671 = arith.muli %add3A_669, %mul3A_670 : i32
    %dma_start3A_672 = arith.constant 3 : i32
    %dma_start3A_673 = arith.constant 0 : i32
    %dma_start3A_674 = arith.constant 0 : i32
    %dma_start3A_675 = tpu.memref_slice %arg6[%dma_start3A_672, %dma_start3A_673, %dma_start3A_674] : memref<4x128x128xf32, #tpu.memory_space<vmem>> -> memref<1x128x128xf32, #tpu.memory_space<vmem>>
    %dma_start3A_676 = tpu.memref_squeeze %dma_start3A_675 : memref<1x128x128xf32, #tpu.memory_space<vmem>> -> memref<128x128xf32, #tpu.memory_space<vmem>>
    %dma_start3A_677 = arith.constant 0 : i32
    %dma_start3A_678 = tpu.memref_slice %arg4[%mul3A_671, %dma_start3A_677] : memref<3276800x128xf32, #tpu.memory_space<hbm>> -> memref<128x128xf32, #tpu.memory_space<hbm>>
    %dma_start3A_679 = arith.constant 0 : i32
    %dma_start3A_680 = tpu.memref_slice %arg4[%mul3A_671, %dma_start3A_679] : memref<3276800x128xf32, #tpu.memory_space<hbm>> -> memref<128x128xf32, #tpu.memory_space<hbm>>
    %dma_start3A_681 = arith.constant 0 : i32
    %dma_start3A_682 = arith.constant 0 : i32
    %dma_start3A_683 = tpu.memref_slice %arg6[%dma_start3A_672, %dma_start3A_681, %dma_start3A_682] : memref<4x128x128xf32, #tpu.memory_space<vmem>> -> memref<1x128x128xf32, #tpu.memory_space<vmem>>
    %dma_start3A_684 = tpu.memref_squeeze %dma_start3A_683 : memref<1x128x128xf32, #tpu.memory_space<vmem>> -> memref<128x128xf32, #tpu.memory_space<vmem>>
    tpu.enqueue_dma source(%dma_start3A_684 : memref<128x128xf32, #tpu.memory_space<vmem>>) target(%dma_start3A_680 : memref<128x128xf32, #tpu.memory_space<hbm>>) target_semaphore(%arg10 : memref<!tpu.dma_semaphore, #tpu.memory_space<semaphore_mem>>)
    %dma_wait3A_685 = arith.constant 1 : i32
    %dma_wait3A_686 = arith.constant 0 : i32
    %dma_wait3A_687 = arith.constant 0 : i32
    %dma_wait3A_688 = tpu.memref_slice %arg6[%dma_wait3A_685, %dma_wait3A_686, %dma_wait3A_687] : memref<4x128x128xf32, #tpu.memory_space<vmem>> -> memref<1x128x128xf32, #tpu.memory_space<vmem>>
    %dma_wait3A_689 = tpu.memref_squeeze %dma_wait3A_688 : memref<1x128x128xf32, #tpu.memory_space<vmem>> -> memref<128x128xf32, #tpu.memory_space<vmem>>
    %dma_wait3A_690 = arith.constant 0 : i32
    %dma_wait3A_691 = arith.constant 0 : i32
    %dma_wait3A_692 = tpu.memref_slice %arg4[%dma_wait3A_690, %dma_wait3A_691] : memref<3276800x128xf32, #tpu.memory_space<hbm>> -> memref<128x128xf32, #tpu.memory_space<hbm>>
    %dma_wait3A_693 = arith.constant 0 : i32
    %dma_wait3A_694 = arith.constant 0 : i32
    %dma_wait3A_695 = tpu.memref_slice %arg4[%dma_wait3A_693, %dma_wait3A_694] : memref<3276800x128xf32, #tpu.memory_space<hbm>> -> memref<128x128xf32, #tpu.memory_space<hbm>>
    %dma_wait3A_696 = arith.constant 0 : i32
    %dma_wait3A_697 = arith.constant 0 : i32
    %dma_wait3A_698 = tpu.memref_slice %arg6[%dma_wait3A_685, %dma_wait3A_696, %dma_wait3A_697] : memref<4x128x128xf32, #tpu.memory_space<vmem>> -> memref<1x128x128xf32, #tpu.memory_space<vmem>>
    %dma_wait3A_699 = tpu.memref_squeeze %dma_wait3A_698 : memref<1x128x128xf32, #tpu.memory_space<vmem>> -> memref<128x128xf32, #tpu.memory_space<vmem>>
    tpu.wait_dma2 semaphore(%arg10 : memref<!tpu.dma_semaphore, #tpu.memory_space<semaphore_mem>>) src(%dma_wait3A_699 : memref<128x128xf32, #tpu.memory_space<vmem>>) dst(%dma_wait3A_695 : memref<128x128xf32, #tpu.memory_space<hbm>>)
    %dma_wait3A_700 = arith.constant 2 : i32
    %dma_wait3A_701 = arith.constant 0 : i32
    %dma_wait3A_702 = arith.constant 0 : i32
    %dma_wait3A_703 = tpu.memref_slice %arg6[%dma_wait3A_700, %dma_wait3A_701, %dma_wait3A_702] : memref<4x128x128xf32, #tpu.memory_space<vmem>> -> memref<1x128x128xf32, #tpu.memory_space<vmem>>
    %dma_wait3A_704 = tpu.memref_squeeze %dma_wait3A_703 : memref<1x128x128xf32, #tpu.memory_space<vmem>> -> memref<128x128xf32, #tpu.memory_space<vmem>>
    %dma_wait3A_705 = arith.constant 0 : i32
    %dma_wait3A_706 = arith.constant 0 : i32
    %dma_wait3A_707 = tpu.memref_slice %arg4[%dma_wait3A_705, %dma_wait3A_706] : memref<3276800x128xf32, #tpu.memory_space<hbm>> -> memref<128x128xf32, #tpu.memory_space<hbm>>
    %dma_wait3A_708 = arith.constant 0 : i32
    %dma_wait3A_709 = arith.constant 0 : i32
    %dma_wait3A_710 = tpu.memref_slice %arg4[%dma_wait3A_708, %dma_wait3A_709] : memref<3276800x128xf32, #tpu.memory_space<hbm>> -> memref<128x128xf32, #tpu.memory_space<hbm>>
    %dma_wait3A_711 = arith.constant 0 : i32
    %dma_wait3A_712 = arith.constant 0 : i32
    %dma_wait3A_713 = tpu.memref_slice %arg6[%dma_wait3A_700, %dma_wait3A_711, %dma_wait3A_712] : memref<4x128x128xf32, #tpu.memory_space<vmem>> -> memref<1x128x128xf32, #tpu.memory_space<vmem>>
    %dma_wait3A_714 = tpu.memref_squeeze %dma_wait3A_713 : memref<1x128x128xf32, #tpu.memory_space<vmem>> -> memref<128x128xf32, #tpu.memory_space<vmem>>
    tpu.wait_dma2 semaphore(%arg10 : memref<!tpu.dma_semaphore, #tpu.memory_space<semaphore_mem>>) src(%dma_wait3A_714 : memref<128x128xf32, #tpu.memory_space<vmem>>) dst(%dma_wait3A_710 : memref<128x128xf32, #tpu.memory_space<hbm>>)
    %dma_wait3A_715 = arith.constant 3 : i32
    %dma_wait3A_716 = arith.constant 0 : i32
    %dma_wait3A_717 = arith.constant 0 : i32
    %dma_wait3A_718 = tpu.memref_slice %arg6[%dma_wait3A_715, %dma_wait3A_716, %dma_wait3A_717] : memref<4x128x128xf32, #tpu.memory_space<vmem>> -> memref<1x128x128xf32, #tpu.memory_space<vmem>>
    %dma_wait3A_719 = tpu.memref_squeeze %dma_wait3A_718 : memref<1x128x128xf32, #tpu.memory_space<vmem>> -> memref<128x128xf32, #tpu.memory_space<vmem>>
    %dma_wait3A_720 = arith.constant 0 : i32
    %dma_wait3A_721 = arith.constant 0 : i32
    %dma_wait3A_722 = tpu.memref_slice %arg4[%dma_wait3A_720, %dma_wait3A_721] : memref<3276800x128xf32, #tpu.memory_space<hbm>> -> memref<128x128xf32, #tpu.memory_space<hbm>>
    %dma_wait3A_723 = arith.constant 0 : i32
    %dma_wait3A_724 = arith.constant 0 : i32
    %dma_wait3A_725 = tpu.memref_slice %arg4[%dma_wait3A_723, %dma_wait3A_724] : memref<3276800x128xf32, #tpu.memory_space<hbm>> -> memref<128x128xf32, #tpu.memory_space<hbm>>
    %dma_wait3A_726 = arith.constant 0 : i32
    %dma_wait3A_727 = arith.constant 0 : i32
    %dma_wait3A_728 = tpu.memref_slice %arg6[%dma_wait3A_715, %dma_wait3A_726, %dma_wait3A_727] : memref<4x128x128xf32, #tpu.memory_space<vmem>> -> memref<1x128x128xf32, #tpu.memory_space<vmem>>
    %dma_wait3A_729 = tpu.memref_squeeze %dma_wait3A_728 : memref<1x128x128xf32, #tpu.memory_space<vmem>> -> memref<128x128xf32, #tpu.memory_space<vmem>>
    tpu.wait_dma2 semaphore(%arg10 : memref<!tpu.dma_semaphore, #tpu.memory_space<semaphore_mem>>) src(%dma_wait3A_729 : memref<128x128xf32, #tpu.memory_space<vmem>>) dst(%dma_wait3A_725 : memref<128x128xf32, #tpu.memory_space<hbm>>)
    return
  }
}

</mosaic_0001>

<sc_bundles>
// kernel: kernel.3.cloned.1.call-start
scs
__scs_entry_jumppad:
0x0: {  	(pc) =	sbr.rel $0x88, $3  }
0x1: {  	(tag) =	ssettag $0x0;
	lr =	simm.s32 $0x1  }
0x2: {  	[smem:$0x3F9F] =	sst lr;
	_ =	strace $0xD0000000  }
0x3: {  	_ = 	snop  }
0x4: {  	_ = 	snop  }
0x5: {  	_ = 	snop  }
0x6: {  	_ = 	snop  }
0x7: {  	_ = 	snop  }
__scs_overlays_trampoline_lowered:
0x8: {  	[smem:$0x3FAE] =	sst s0  }
0x9: {  	[smem:$0x3FAF] =	sst s1  }
0xa: {  	[smem:$0x3FB0] =	sst s2  }
0xb: {  	[smem:$0x3FB1] =	sst s3  }
0xc: {  	[smem:$0x3FB2] =	sst s4  }
0xd: {  	[smem:$0x3FB3] =	sst s5  }
0xe: {  	[smem:$0x3FB4] =	sst s6  }
0xf: {  	[smem:$0x3FB5] =	sst s7  }
0x10: {  	[smem:$0x3FB6] =	sst s8  }
0x11: {  	[smem:$0x3FB7] =	sst s9;
	s0 =	simm.s32 @!p0 $0x0  }
0x12: {  	s1 =	sld [smem:$0x3F9D];
	s0 =	simm.s32 @p0 $0x1  }
0x13: {  	[smem:$0x3FB8] =	sst s0;
	s0 =	simm.s32 @!p1 $0x0  }
0x14: {  	s2 =	sld [smem:$0x3F9C];
	s0 =	simm.s32 @p1 $0x1  }
0x15: {  	[smem:$0x3FB9] =	sst s0;
	s0 =	simm.s32 @!p2 $0x0  }
0x16: {  	s3 =	sld [smem:$0x3FDB];
	s0 =	simm.s32 @p2 $0x1  }
0x17: {  	s4 =	simm.s32 $0x1BF5;
	[smem:$0x3FBB] =	sst s0  }
0x18: {  	s0 =	sld [smem:$0x3F9E];
	_ =	swait.ge [sflag:s4], $0x0  }
0x19: {  	s7 =	sld [smem:$0x3F9F]  }
0x1a: {  	s8 =	sadd.s32 $0xFFFFE003, lr  }
0x1b: {  	s9 =	sadd.s32 $0xFFFFFEF7, lr;
	s5 =	simm.s32 $0xFFFFFFFF;
	p2 =	slt.u32 s8, $0xFFFFF086  }
0x1c: {  	p1 =	slt.u32 s9, $0xF7A;
	s5 =	simm.s32 @!p2 $0x0  }
0x1d: {  	s5 =	simm.s32 @p1 $0x1;
	p0 =	seq.s32 s7, s2  }
0x1e: {  	s7 =	smul.u32 @!p0 $0xF7A, s2;
	p2 =	seq.s32 @!p0 s5, $0x0  }
0x1f: {  	s9 =	smul.u32 $0xF7A, s1;
	s8 =	simm.s32 @!p0 $0x1BF5;
	p2 =	por !p2, p0  }
0x20: {  	[sflag:s8] =	ssyncset.s32 @!p0 $0xFFFFF086;
	s6 =	sadd.s32 @!p0 s3, s7;
	s7 =	simm.s32 @!p0 $0x108  }
0x21: {  	s3 =	sadd.s32 s3, s9;
	s6 =	sadd.s32 @!p0 $0x88, s6;
	s7 =	simm.s32 @p2 $0x1082  }
0x22: {  	[simem:s7], [sflag:s8] =	dma.local @!p0 [hbm:s6], $0xF7A  }
0x23: {  	s9 =	sor.u32 $0xD0000000, s2;
	s6 =	simm.s32 $0x108;
	_ =	swait.ge @!p0 [sflag:s8], $0x0  }
0x24: {  	s3 =	sadd.s32 $0x88, s3;
	s6 =	simm.s32 @!p1 $0x1082;
	[sflag:s4] =	ssyncset.s32 $0xFFFFF086  }
0x25: {  	[simem:s6], [sflag:s4] =	dma.local [hbm:s3], $0xF7A  }
0x26: {  	[smem:$0x3F9F] =	sst s1;
	(tag) =	ssettag s2;
	_ =	strace s9  }
0x27: {  	s1 =	sld [smem:$0x3FAF]  }
0x28: {  	s2 =	sld [smem:$0x3FB0]  }
0x29: {  	s4 =	sld [smem:$0x3FB2]  }
0x2a: {  	p0 =	seq.s32 s5, $0x0;
	s5 =	sld [smem:$0x3FB3]  }
0x2b: {  	s6 =	sld [smem:$0x3FB4]  }
0x2c: {  	s7 =	sld [smem:$0x3FB5]  }
0x2d: {  	s3 =	simm.s32 $0x108;
	s8 =	sld [smem:$0x3FB6]  }
0x2e: {  	s3 =	simm.s32 @!p0 $0x1082;
	s9 =	sld [smem:$0x3FB7]  }
0x2f: {  	lr =	sadd.s32 s0, s3;
	s0 =	sld [smem:$0x3FAE]  }
0x30: {  	s3 =	sld [smem:$0x3FB1]  }
0x31: {  	[smem:$0x3FBA] =	sst s10  }
0x32: {  	s10 =	sld [smem:$0x3FB8];
	_ =	sdelay $0x3  }
0x33: {  	p0 =	seq.s32 s10, $0x1;
	s10 =	sld [smem:$0x3FBA];
	_ =	sdelay $0x3  }
0x34: {  	[smem:$0x3FBA] =	sst s10  }
0x35: {  	s10 =	sld [smem:$0x3FB9];
	_ =	sdelay $0x3  }
0x36: {  	p1 =	seq.s32 s10, $0x1;
	s10 =	sld [smem:$0x3FBA];
	_ =	sdelay $0x3  }
0x37: {  	[smem:$0x3FBA] =	sst s10  }
0x38: {  	s10 =	sld [smem:$0x3FBB]  }
0x39: {  	_ = 	snop;
	(pc) =	sbr.ind lr, $3  }
0x3a: {  	_ = 	snop  }
0x3b: {  	_ = 	snop  }
0x3c: {  	p2 =	seq.s32 s10, $0x1;
	s10 =	sld [smem:$0x3FBA]  }
0x3d: {  	_ =	shalt  }
0x3e: {  	_ =	shalt  }
0x3f: {  	_ =	shalt  }
0x40: {  	_ =	shalt  }
0x41: {  	_ =	shalt  }
0x42: {  	_ =	shalt  }
0x43: {  	_ =	shalt  }
0x44: {  	_ =	shalt  }
0x45: {  	_ =	shalt  }
0x46: {  	_ =	shalt  }
0x47: {  	_ =	shalt  }
0x48: {  	_ =	shalt  }
0x49: {  	_ =	shalt  }
0x4a: {  	_ =	shalt  }
0x4b: {  	_ =	shalt  }
0x4c: {  	_ =	shalt  }
0x4d: {  	_ =	shalt  }
0x4e: {  	_ =	shalt  }
0x4f: {  	_ =	shalt  }
0x50: {  	_ =	shalt  }
0x51: {  	_ =	shalt  }
0x52: {  	_ =	shalt  }
0x53: {  	_ =	shalt  }
0x54: {  	_ =	shalt  }
0x55: {  	_ =	shalt  }
0x56: {  	_ =	shalt  }
0x57: {  	_ =	shalt  }
0x58: {  	_ =	shalt  }
0x59: {  	_ =	shalt  }
0x5a: {  	_ =	shalt  }
0x5b: {  	_ =	shalt  }
0x5c: {  	_ =	shalt  }
0x5d: {  	_ =	shalt  }
0x5e: {  	_ =	shalt  }
0x5f: {  	_ =	shalt  }
0x60: {  	_ =	shalt  }
0x61: {  	_ =	shalt  }
0x62: {  	_ =	shalt  }
0x63: {  	_ =	shalt  }
0x64: {  	_ =	shalt  }
0x65: {  	_ =	shalt  }
0x66: {  	_ =	shalt  }
0x67: {  	_ =	shalt  }
0x68: {  	_ =	shalt  }
0x69: {  	_ =	shalt  }
0x6a: {  	_ =	shalt  }
0x6b: {  	_ =	shalt  }
0x6c: {  	_ =	shalt  }
0x6d: {  	_ =	shalt  }
0x6e: {  	_ =	shalt  }
0x6f: {  	_ =	shalt  }
0x70: {  	_ =	shalt  }
0x71: {  	_ =	shalt  }
0x72: {  	_ =	shalt  }
0x73: {  	_ =	shalt  }
0x74: {  	_ =	shalt  }
0x75: {  	_ =	shalt  }
0x76: {  	_ =	shalt  }
0x77: {  	_ =	shalt  }
0x78: {  	_ =	shalt  }
0x79: {  	_ =	shalt  }
0x7a: {  	_ =	shalt  }
0x7b: {  	_ =	shalt  }
0x7c: {  	_ =	shalt  }
0x7d: {  	_ =	shalt  }
0x7e: {  	_ =	shalt  }
0x7f: {  	_ =	shalt  }
0x80: {  	_ =	shalt  }
0x81: {  	_ =	shalt  }
0x82: {  	_ =	shalt  }
0x83: {  	_ =	shalt  }
0x84: {  	_ =	shalt  }
0x85: {  	_ =	shalt  }
0x86: {  	_ =	shalt  }
0x87: {  	_ =	shalt  }
.Lfunc_end0:
.L_simem_size_0:
called_computation_lowered:
.L_overlay_start_0:
0x88: {  	s2 =	sld [smem:$0x3FD9]  }
0x89: {  	s3 =	sld [smem:$0x3FFE];
	_ =	sdelay $0x1  }
0x8a: {  	s1 =	srdreg.scid  }
0x8b: {  	s0 =	sand.u32 $0x1, s1  }
0x8c: {  	s15 =	sshll.u32 s0, $0xA;
	s2 =	sadd.s32 s3, s2  }
0x8d: {  	s2 =	sadd.s32 s2, s15  }
0x8e: {  	[smem:$0x3FC6] =	sst s2  }
0x8f: {  	_ = 	snop  }
0x90: {  	s2 =	sld [smem:$0x3FD0];
	_ =	sdelay $0x2  }
0x91: {  	s4 =	simm.s32 $0xA;
	s5 =	simm.s32 $0x10;
	s16 =	sld [smem:$0x3FC8]  }
0x92: {  	[smem:s5], [sflag:s4] =	dma.local [hbm:s2], $0x1  }
0x93: {  	_ =	swait.eq [sflag:s4], $0x1  }
0x94: {  	[sflag:s4] =	ssyncset.done $0x0  }
0x95: {  	s17 =	sld [smem:$0x10];
	[sflag:s4] =	ssyncadd.s32 $0xFFFFFFFF  }
0x96: {  	s18 =	sld [smem:$0x11];
	(tm) =	ssettm $0x1  }
0x97: {  	s19 =	sld [smem:$0x3FFB];
	_ =	sdelay $0x3  }
0x98: {  	_ =	strace s19  }
0x99: {  	s5 =	sld [smem:$0x3FFC];
	_ =	sdelay $0x3  }
0x9a: {  	_ =	strace s5  }
0x9b: {  	s5 =	sld [smem:$0x3FFD];
	_ =	sdelay $0x3  }
0x9c: {  	_ =	strace s5  }
0x9d: {  	_ =	strace $0x8FFFFFFF  }
0x9e: {  	s20 =	sld [smem:$0x3FDB];
	_ =	sdelay $0x1  }
0x9f: {  	s6 =	simm.s32 $_scs_section_size  }
0xa0: {  	s7 =	simm.s32 $_size__tile_overlayer_lowered;
	s8 =	simm.s32 $_tile_overlayer_lowered  }
0xa1: {  	s23 =	simm.s32 $0x1BFF;
	s22 =	sshll.u32 s8, $0x1;
	s5 =	sadd.s32 s6, s20  }
0xa2: {  	s9 =	simm.s32 $0x0;
	s21 =	sshll.u32 s7, $0x1;
	s7 =	sadd.s32 s22, s5  }
0xa3: {  	[timem:s9], [sflag:s23] =	dma.local [hbm:s7], s21  }
0xa4: {  	_ =	swait.ge [sflag:s23], s21  }
0xa5: {  	s6 =	ssub.s32 $0x0, s21;
	[sflag:s23] =	ssyncset.done $0x0  }
0xa6: {  	[sflag:s23] =	ssyncadd.s32 s6;
	_ =	sdelay $0x1  }
0xa7: {  	s24 =	simm.s32 $0x1B8B  }
0xa8: {  	_ =	swait.ge [sflag:s24], $0x1  }
0xa9: {  	[sflag:s24] =	ssyncset.done $0x0  }
0xaa: {  	s25 =	simm.s32 $0x1B8E;
	[sflag:s24] =	ssyncadd.s32 $0xFFFFFFFF  }
0xab: {  	s26 =	simm.s32 $execute0_lowered;
	[smem:$0x3FD2] =	sst s25  }
0xac: {  	s6 =	sshll.u32 s26, $0x1;
	_ =	strace $0x80000046;
	[dreg:$0x1] =	wrdreg $0xFFFFFFFF  }
0xad: {  	s28 =	simm.s32 $_size_execute0_lowered;
	s5 =	sadd.s32 s5, s6;
	[dreg:$0x0] =	wrdreg $0x0  }
0xae: {  	s6 =	sshll.u32 s28, $0x1;
	[dreg:$0x2] =	wrdreg s5  }
0xaf: {  	[dreg:$0x3] =	wrdreg s6  }
0xb0: {  	[dreg:$0x4] =	wrdreg $0xC0  }
0xb1: {  	_ =	task [dreg:s9], $0x5FFFF  }
0xb2: {  	[dreg:$0x1] =	wrdreg $0xFFFFFFFF  }
0xb3: {  	[dreg:$0x0] =	wrdreg $0x60  }
0xb4: {  	[dreg:$0x2] =	wrdreg s18  }
0xb5: {  	[dreg:$0x3] =	wrdreg s16  }
0xb6: {  	[dreg:$0x4] =	wrdreg s17  }
0xb7: {  	[dreg:$0x5] =	wrdreg $0x102000  }
0xb8: {  	[dreg:$0x6] =	wrdreg $0x9  }
0xb9: {  	_ =	task.clear_ibuf [dreg:s9], $0x7FFFF;
	_ =	strace $0x90000046  }
0xba: {  	s29 =	simm.s32 $0x9;
	_ =	strace $0x80000048  }
0xbb: {  	_ =	swait.ge [sflag:s29], $0x1  }
0xbc: {  	[sflag:s29] =	ssyncadd.s32 $0xFFFFFFFF  }
0xbd: {  	_ =	strace $0x90000048  }
0xbe: {  	_ =	sfence  }
0xbf: {  	s30 =	sld [smem:$0x0];
	_ =	sdelay $0x2  }
0xc0: {  	s31 =	sshll.u32 s1, $0xD;
	s1 =	sshrl.u32 s1, $0x2  }
0xc1: {  	s3 =	sand.u32 $0x4000, s31;
	s1 =	sadd.s32 s1, s30  }
0xc2: {  	s0 =	sor.u32 s3, s0;
	s1 =	sshll.u32 s1, $0x11  }
0xc3: {  	s0 =	sor.u32 s1, s0  }
0xc4: {  	s0 =	sadd.s32 $0x8F2B, s0  }
0xc5: {  	[sflag:s0] =	ssyncadd.remote.s32 $0x1  }
0xc6: {  	_ =	sfence.sel $0xFFFF  }
0xc7: {  	[dreg:$0x0] =	wrdreg $0xFFFFFFFF;
	(pc) =	sbr.abs _section_cstart, $3  }
0xc8: {  	[dreg:$0x1] =	wrdreg $0xFFFFFFFF  }
0xc9: {  	_ =	task.clear_ibuf [dreg:s9], $0x2FFFF;
	_ =	strace $0x9FFFFFFF  }
0xca: {  	(tm) =	ssettm $0x7FFFFFFF  }
0xcb: {  	_ =	shalt  }
tec
execute0_lowered:
.L_overlay_start_1:
0x0: {  	(tag) =	ssettag $0x1  }
0x1: {  	s1 =	rddreg [dreg:$0x0]  }
0x2: {  	s0 =	rddreg [dreg:$0x1]  }
0x3: {  	s3 =	rddreg [dreg:$0x2]  }
0x4: {  	s2 =	rddreg [dreg:$0x3]  }
0x5: {  	s4 =	srdreg.scid;
	s11 =	stileid.u32;
	s29 =	simm.s32 $0x4  }
0x6: {  	s30 =	simm.s32 $0x80;
	s31 =	simm.s32 $0x100;
	s5 =	sand.u32 $0x1, s4  }
0x7: {  	s4 =	simm.s32 $0x0;
	s8 =	sshll.u32 s11, $0x1;
	s9 =	sshll.u32 s11, $0xA  }
0x8: {  	s21 =	sshll.u32 s11, $0x6;
	s6 =	ssub.s32 $0x2, s5;
	s8 =	sor.u32 s5, s8  }
0x9: {  	[smem:$0x7FF] =	sst s4;
	s0 =	sadd.s32 s0, s9;
	s10 =	smul.u32 $0x3200, s8  }
0xa: {  	s7 =	sshrl.u32 s6, $0x1;
	_ =	strace $0x80000047;
	s22 =	smul.u32 $0x190000, s8  }
0xb: {  	[dreg:$0x6] =	wrdreg s0;
	s0 =	sor.u32 $0x1C04, s21;
	s7 =	ssub.s32 s6, s7  }
0xc: {  	[dreg:$0x7] =	wrdreg s0;
	s6 =	sadd.s32 s1, s10;
	s14 =	sadd.s32 s3, s22  }
0xd: {  	s20 =	sshll.u32 s11, $0xD;
	s23 =	sadd.s32 $0x10, s6;
	[dreg:$0xb] =	wrdreg s14  }
0xe: {  	s16 =	smul.u32 $0x640, s11;
	s24 =	sadd.s32 $0x20, s6;
	[dreg:$0x8] =	wrdreg s23  }
0xf: {  	s26 =	smul.u32 $0xC80000, s8;
	s25 =	sadd.s32 $0x30, s6;
	[dreg:$0x9] =	wrdreg s24  }
0x10: {  	s12 =	smul.u32 $0x320, s8;
	s28 =	sadd.s32 $0x40, s6;
	[dreg:$0xa] =	wrdreg s25  }
0x11: {  	s0 =	sshrl.u32 s26, $0x3;
	s9 =	sadd.s32 $0x800, s14;
	[dreg:$0xc] =	wrdreg s28  }
0x12: {  	s12 =	sadd.s32 $0x31F, s12;
	s10 =	sadd.s32 $0x50, s6;
	[dreg:$0xd] =	wrdreg s9  }
0x13: {  	s0 =	sadd.s32 s3, s0;
	s26 =	sadd.s32 $0x1000, s14;
	[dreg:$0xe] =	wrdreg s10  }
0x14: {  	s17 =	sshll.u32 s12, $0x4;
	s15 =	sadd.s32 $0x18D800, s0;
	[dreg:$0x17] =	wrdreg s26  }
0x15: {  	s13 =	sadd.s32 s20, s2;
	s10 =	sadd.s32 s1, s17;
	[dreg:$0xf] =	wrdreg s15  }
0x16: {  	s8 =	sshll.u32 s12, $0xB;
	s19 =	sadd.s32 $0x18E000, s0;
	[dreg:$0x10] =	wrdreg s10  }
0x17: {  	s18 =	smul.u32 $0x320, s5;
	s8 =	sadd.s32 s3, s8;
	[dreg:$0x11] =	wrdreg s19  }
0x18: {  	s20 =	smul.u32 $0x6400, s11;
	s22 =	sadd.s32 $0x18E800, s0;
	[dreg:$0x12] =	wrdreg s8  }
0x19: {  	s5 =	smul.u32 $0x3200, s5;
	s0 =	sadd.s32 $0x18F000, s0;
	[dreg:$0x13] =	wrdreg s22  }
0x1a: {  	s12 =	simm.s32 $0x3;
	s23 =	smax.u32 s7, $0x1;
	[dreg:$0x14] =	wrdreg s0  }
0x1b: {  	s9 =	sadd.s32 s18, s16;
	s24 =	sadd.s32 s5, s20;
	[dreg:$0x15] =	wrdreg s23  }
0x1c: {  	s25 =	sshrl.u32 s13, $0x3;
	s28 =	sadd.s32 $0x60, s6;
	[dreg:$0x5] =	wrdreg s24  }
0x1d: {  	s5 =	simm.s32 $0x200;
	s7 =	simm.s32 $0x4200;
	[dreg:$0x16] =	wrdreg s25  }
0x1e: {  	s13 =	simm.s32 $0x0;
	s21 =	sshll.u32 s9, $0xB;
	[dreg:$0x18] =	wrdreg s28  }
0x1f: {  	s0 =	simm.s32 $0x180;
	s8 =	simm.s32 $0x2;
	s3 =	sadd.s32 s21, s3  }
0x20: {  	s9 =	simm.s32 $0x8200;
	s10 =	simm.s32 $0xC200;
	s15 =	sadd.s32 $0x3000, s3  }
0x21: {  	s23 =	sadd.s32 $0x2800, s3;
	s24 =	sadd.s32 $0x2000, s3;
	s3 =	simm.s32 $0x1  }
.LBB2_1:
0x22: {  	s11 =	rddreg [dreg:$0x6]  }
0x23: {  	s14 =	rddreg [dreg:$0x7]  }
0x24: {  	s16 =	rddreg [dreg:$0x16]  }
0x25: {  	[spmem:s16], [sflag:s14] =	dma.local [hbm:s11], $0x400  }
0x26: {  	_ =	swait.ge [sflag:s29], $0x400  }
0x27: {  	[sflag:s29] =	ssyncset.done $0x0  }
0x28: {  	[sflag:s29] =	ssyncadd.s32 $0xFFFFFC00  }
0x29: {  	[bflag:$0x0] =	sbarrier.arrive $0xFFFF  }
0x2a: {  	[tilespmem:s4], [sflag:$0x1] =	stream.linear.gather [hbm4b:s6+s4], $0x80, $0x38;
	[tilespmem:$0x12200] =	vst v63  }
0x2b: {  	s20 =	rddreg [dreg:$0x8]  }
0x2c: {  	[tilespmem:s30], [sflag:$0x1] =	stream.linear.gather [hbm4b:s20+s4], $0x80, $0x38;
	[tilespmem:$0x12200] =	vst v63  }
0x2d: {  	s21 =	rddreg [dreg:$0x9]  }
0x2e: {  	[tilespmem:s31], [sflag:$0x1] =	stream.linear.gather [hbm4b:s21+s4], $0x80, $0x38;
	[tilespmem:$0x12200] =	vst v63  }
0x2f: {  	s22 =	rddreg [dreg:$0xa]  }
0x30: {  	[tilespmem:s0], [sflag:$0x1] =	stream.linear.gather [hbm4b:s22+s4], $0x80, $0x38;
	[tilespmem:$0x12200] =	vst v63  }
0x31: {  	_ =	swait.ge [sflag:s3], $0x80  }
0x32: {  	[sflag:s3] =	ssyncset.done $0x0  }
0x33: {  	[sflag:s3] =	ssyncadd.s32 $0xFFFFFF80  }
0x34: {  	[tilespmem:s5], [sflag:$0x2] =	stream.indirect.gather [spmem:s2], $0x80, s4, s30, $0xb8;
	[tilespmem:$0x12200] =	vst v63  }
0x35: {  	_ =	swait.ge [sflag:s3], $0x80  }
0x36: {  	[sflag:s3] =	ssyncset.done $0x0  }
0x37: {  	[sflag:s3] =	ssyncadd.s32 $0xFFFFFF80  }
0x38: {  	[tilespmem:s7], [sflag:$0x2] =	stream.indirect.gather [spmem:s2], $0x80, s30, s30, $0xb8;
	[tilespmem:$0x12200] =	vst v63  }
0x39: {  	_ =	swait.ge [sflag:s8], $0x4000  }
0x3a: {  	[sflag:s8] =	ssyncset.done $0x0  }
0x3b: {  	s25 =	rddreg [dreg:$0xb];
	[sflag:s8] =	ssyncadd.s32 $0xFFFFC000  }
0x3c: {  	[hbm4b:s25+s4] =	stream.linear.scatter [tilespmem:s5], [sflag:$0x3], $0x4000, $0x38;
	[tilespmem:$0x12200] =	vst v63  }
0x3d: {  	s26 =	rddreg [dreg:$0xc]  }
0x3e: {  	[tilespmem:s4], [sflag:$0x1] =	stream.linear.gather [hbm4b:s26+s4], $0x80, $0x38;
	[tilespmem:$0x12200] =	vst v63  }
0x3f: {  	_ =	swait.ge [sflag:s3], $0x80  }
0x40: {  	[sflag:s3] =	ssyncset.done $0x0  }
0x41: {  	[sflag:s3] =	ssyncadd.s32 $0xFFFFFF80  }
0x42: {  	[tilespmem:s9], [sflag:$0x2] =	stream.indirect.gather [spmem:s2], $0x80, s31, s30, $0xb8;
	[tilespmem:$0x12200] =	vst v63  }
0x43: {  	_ =	swait.ge [sflag:s8], $0x4000  }
0x44: {  	[sflag:s8] =	ssyncset.done $0x0  }
0x45: {  	s28 =	rddreg [dreg:$0xd];
	[sflag:s8] =	ssyncadd.s32 $0xFFFFC000  }
0x46: {  	[hbm4b:s28+s4] =	stream.linear.scatter [tilespmem:s7], [sflag:$0x3], $0x4000, $0x38;
	[tilespmem:$0x12200] =	vst v63  }
0x47: {  	s14 =	rddreg [dreg:$0xe]  }
0x48: {  	[tilespmem:s30], [sflag:$0x1] =	stream.linear.gather [hbm4b:s14+s4], $0x80, $0x38;
	[tilespmem:$0x12200] =	vst v63  }
0x49: {  	_ =	swait.ge [sflag:s3], $0x80  }
0x4a: {  	[sflag:s3] =	ssyncset.done $0x0  }
0x4b: {  	[sflag:s3] =	ssyncadd.s32 $0xFFFFFF80  }
0x4c: {  	[tilespmem:s10], [sflag:$0x2] =	stream.indirect.gather [spmem:s2], $0x80, s0, s30, $0xb8;
	[tilespmem:$0x12200] =	vst v63  }
0x4d: {  	_ =	swait.ge [sflag:s8], $0x4000  }
0x4e: {  	[sflag:s8] =	ssyncset.done $0x0  }
0x4f: {  	s16 =	rddreg [dreg:$0x17];
	[sflag:s8] =	ssyncadd.s32 $0xFFFFC000  }
0x50: {  	[hbm4b:s16+s4] =	stream.linear.scatter [tilespmem:s9], [sflag:$0x3], $0x4000, $0x38;
	[tilespmem:$0x12200] =	vst v63  }
0x51: {  	s17 =	rddreg [dreg:$0x18]  }
0x52: {  	[tilespmem:s31], [sflag:$0x1] =	stream.linear.gather [hbm4b:s17+s4], $0x80, $0x38;
	[tilespmem:$0x12200] =	vst v63  }
0x53: {  	_ =	swait.ge [sflag:s12], $0x4000  }
0x54: {  	[sflag:s12] =	ssyncset.done $0x0  }
0x55: {  	[sflag:s12] =	ssyncadd.s32 $0xFFFFC000  }
0x56: {  	_ =	swait.ge [sflag:s3], $0x80  }
0x57: {  	[sflag:s3] =	ssyncset.done $0x0  }
0x58: {  	[sflag:s3] =	ssyncadd.s32 $0xFFFFFF80  }
0x59: {  	[tilespmem:s5], [sflag:$0x2] =	stream.indirect.gather [spmem:s2], $0x80, s4, s30, $0xb8;
	[tilespmem:$0x12200] =	vst v63  }
0x5a: {  	_ =	swait.ge [sflag:s8], $0x4000  }
0x5b: {  	s19 =	simm.s32 $0x70;
	s18 =	rddreg [dreg:$0x5]  }
0x5c: {  	s16 =	sand.u32 $0x70, s19;
	[sflag:s8] =	ssyncset.done $0x0;
	s17 =	sadd.s32 $0x0, s18  }
0x5d: {  	[sflag:s8] =	ssyncadd.s32 $0xFFFFC000;
	s18 =	sadd.s32 $0xFFFFF000, s23;
	s21 =	sadd.s32 $0x70, s17  }
0x5e: {  	[hbm4b:s18+s4] =	stream.linear.scatter [tilespmem:s10], [sflag:$0x3], $0x4000, $0x38;
	[tilespmem:$0x12200] =	vst v63  }
0x5f: {  	s20 =	sadd.s32 s1, s16;
	s16 =	sand.u32 $0xFFFFF80, s21  }
0x60: {  	s14 =	sadd.s32 s16, s20  }
0x61: {  	[tilespmem:s0], [sflag:$0x1] =	stream.linear.gather [hbm4b:s14+s4], $0x80, $0x38;
	[tilespmem:$0x12200] =	vst v63  }
0x62: {  	_ =	swait.ge [sflag:s12], $0x4000  }
0x63: {  	[sflag:s12] =	ssyncset.done $0x0  }
0x64: {  	[sflag:s12] =	ssyncadd.s32 $0xFFFFC000  }
0x65: {  	_ =	swait.ge [sflag:s3], $0x80  }
0x66: {  	[sflag:s3] =	ssyncset.done $0x0  }
0x67: {  	[sflag:s3] =	ssyncadd.s32 $0xFFFFFF80  }
0x68: {  	[tilespmem:s7], [sflag:$0x2] =	stream.indirect.gather [spmem:s2], $0x80, s30, s30, $0xb8;
	[tilespmem:$0x12200] =	vst v63  }
0x69: {  	_ =	swait.ge [sflag:s8], $0x4000  }
0x6a: {  	s25 =	sand.u32 $0x40, s4;
	s22 =	sadd.s32 $0x80, s17;
	[sflag:s8] =	ssyncset.done $0x0  }
0x6b: {  	s16 =	sadd.s32 s1, s25;
	s14 =	sand.u32 $0xFFFFF80, s22;
	[sflag:s8] =	ssyncadd.s32 $0xFFFFC000  }
0x6c: {  	[hbm4b:s24+s4] =	stream.linear.scatter [tilespmem:s5], [sflag:$0x3], $0x4000, $0x38;
	[tilespmem:$0x12200] =	vst v63  }
0x6d: {  	s14 =	sadd.s32 s14, s16  }
0x6e: {  	[tilespmem:s4], [sflag:$0x1] =	stream.linear.gather [hbm4b:s14+s4], $0x80, $0x38;
	[tilespmem:$0x12200] =	vst v63  }
0x6f: {  	_ =	swait.ge [sflag:s12], $0x4000  }
0x70: {  	[sflag:s12] =	ssyncset.done $0x0  }
0x71: {  	[sflag:s12] =	ssyncadd.s32 $0xFFFFC000  }
0x72: {  	_ =	swait.ge [sflag:s3], $0x80  }
0x73: {  	[sflag:s3] =	ssyncset.done $0x0  }
0x74: {  	[sflag:s3] =	ssyncadd.s32 $0xFFFFFF80  }
0x75: {  	[tilespmem:s9], [sflag:$0x2] =	stream.indirect.gather [spmem:s2], $0x80, s31, s30, $0xb8;
	[tilespmem:$0x12200] =	vst v63  }
0x76: {  	s26 =	simm.s32 $0x90;
	_ =	swait.ge [sflag:s8], $0x4000  }
0x77: {  	s28 =	sadd.s32 $0x90, s17;
	s14 =	sand.u32 $0x50, s26;
	[sflag:s8] =	ssyncset.done $0x0  }
0x78: {  	s16 =	sand.u32 $0xFFFFF80, s28;
	s14 =	sadd.s32 s1, s14;
	[sflag:s8] =	ssyncadd.s32 $0xFFFFC000  }
0x79: {  	[hbm4b:s23+s4] =	stream.linear.scatter [tilespmem:s7], [sflag:$0x3], $0x4000, $0x38;
	[tilespmem:$0x12200] =	vst v63  }
0x7a: {  	s14 =	sadd.s32 s16, s14  }
0x7b: {  	[tilespmem:s30], [sflag:$0x1] =	stream.linear.gather [hbm4b:s14+s4], $0x80, $0x38;
	[tilespmem:$0x12200] =	vst v63  }
0x7c: {  	_ =	swait.ge [sflag:s12], $0x4000  }
0x7d: {  	s19 =	sadd.s32 $0x2000, s23;
	[sflag:s12] =	ssyncset.done $0x0  }
0x7e: {  	s18 =	sadd.s32 $0x2000, s15;
	s20 =	sadd.s32 $0xA0, s17;
	[sflag:s12] =	ssyncadd.s32 $0xFFFFC000  }
0x7f: {  	s17 =	simm.s32 $0x0;
	s22 =	smov.u32 s15;
	_ =	swait.ge [sflag:s3], $0x80  }
0x80: {  	s16 =	sadd.s32 $0x2000, s24;
	s14 =	simm.s32 $0x40;
	[sflag:s3] =	ssyncset.done $0x0  }
.LBB2_2:
0x81: {  	[sflag:s3] =	ssyncadd.s32 $0xFFFFFF80  }
0x82: {  	[tilespmem:s10], [sflag:$0x2] =	stream.indirect.gather [spmem:s2], $0x80, s0, s30, $0xb8;
	[tilespmem:$0x12200] =	vst v63  }
0x83: {  	s11 =	smov.u32 s14;
	s21 =	sadd.s32 $0xA0, s17;
	_ =	swait.ge [sflag:s8], $0x4000  }
0x84: {  	s20 =	sand.u32 $0xFFFFF80, s20;
	s21 =	sand.u32 $0x60, s21;
	[sflag:s8] =	ssyncset.done $0x0  }
0x85: {  	s17 =	smov.u32 s11;
	s11 =	sadd.s32 s1, s21;
	[sflag:s8] =	ssyncadd.s32 $0xFFFFC000  }
0x86: {  	[hbm4b:s22+s4] =	stream.linear.scatter [tilespmem:s9], [sflag:$0x3], $0x4000, $0x38;
	[tilespmem:$0x12200] =	vst v63  }
0x87: {  	s11 =	sadd.s32 s20, s11  }
0x88: {  	[tilespmem:s31], [sflag:$0x1] =	stream.linear.gather [hbm4b:s11+s4], $0x80, $0x38;
	[tilespmem:$0x12200] =	vst v63  }
0x89: {  	_ =	swait.ge [sflag:s12], $0x4000  }
0x8a: {  	[sflag:s12] =	ssyncset.done $0x0  }
0x8b: {  	[sflag:s12] =	ssyncadd.s32 $0xFFFFC000  }
0x8c: {  	_ =	swait.ge [sflag:s3], $0x80  }
0x8d: {  	[sflag:s3] =	ssyncset.done $0x0  }
0x8e: {  	[sflag:s3] =	ssyncadd.s32 $0xFFFFFF80  }
0x8f: {  	[tilespmem:s5], [sflag:$0x2] =	stream.indirect.gather [spmem:s2], $0x80, s4, s30, $0xb8;
	[tilespmem:$0x12200] =	vst v63  }
0x90: {  	_ =	swait.ge [sflag:s8], $0x4000  }
0x91: {  	s26 =	sadd.s32 $0x70, s17;
	s25 =	rddreg [dreg:$0x5]  }
0x92: {  	s20 =	sand.u32 $0x70, s26;
	[sflag:s8] =	ssyncset.done $0x0;
	s11 =	sadd.s32 s17, s25  }
0x93: {  	s26 =	sadd.s32 $0xFFFFF000, s19;
	[sflag:s8] =	ssyncadd.s32 $0xFFFFC000;
	s28 =	sadd.s32 $0x70, s11  }
0x94: {  	[hbm4b:s26+s4] =	stream.linear.scatter [tilespmem:s10], [sflag:$0x3], $0x4000, $0x38;
	[tilespmem:$0x12200] =	vst v63  }
0x95: {  	s21 =	sadd.s32 s1, s20;
	s28 =	sand.u32 $0xFFFFF80, s28  }
0x96: {  	s21 =	sadd.s32 s28, s21  }
0x97: {  	[tilespmem:s0], [sflag:$0x1] =	stream.linear.gather [hbm4b:s21+s4], $0x80, $0x38;
	[tilespmem:$0x12200] =	vst v63  }
0x98: {  	_ =	swait.ge [sflag:s12], $0x4000  }
0x99: {  	[sflag:s12] =	ssyncset.done $0x0  }
0x9a: {  	[sflag:s12] =	ssyncadd.s32 $0xFFFFC000  }
0x9b: {  	_ =	swait.ge [sflag:s3], $0x80  }
0x9c: {  	[sflag:s3] =	ssyncset.done $0x0  }
0x9d: {  	[sflag:s3] =	ssyncadd.s32 $0xFFFFFF80  }
0x9e: {  	[tilespmem:s7], [sflag:$0x2] =	stream.indirect.gather [spmem:s2], $0x80, s30, s30, $0xb8;
	[tilespmem:$0x12200] =	vst v63  }
0x9f: {  	_ =	swait.ge [sflag:s8], $0x4000  }
0xa0: {  	s25 =	sadd.s32 $0x80, s11;
	s26 =	sand.u32 $0x40, s17;
	[sflag:s8] =	ssyncset.done $0x0  }
0xa1: {  	s25 =	sand.u32 $0xFFFFF80, s25;
	s21 =	sadd.s32 s1, s26;
	[sflag:s8] =	ssyncadd.s32 $0xFFFFC000  }
0xa2: {  	[hbm4b:s16+s4] =	stream.linear.scatter [tilespmem:s5], [sflag:$0x3], $0x4000, $0x38;
	[tilespmem:$0x12200] =	vst v63  }
0xa3: {  	s21 =	sadd.s32 s25, s21  }
0xa4: {  	[tilespmem:s4], [sflag:$0x1] =	stream.linear.gather [hbm4b:s21+s4], $0x80, $0x38;
	[tilespmem:$0x12200] =	vst v63  }
0xa5: {  	_ =	swait.ge [sflag:s12], $0x4000  }
0xa6: {  	[sflag:s12] =	ssyncset.done $0x0  }
0xa7: {  	[sflag:s12] =	ssyncadd.s32 $0xFFFFC000  }
0xa8: {  	_ =	swait.ge [sflag:s3], $0x80  }
0xa9: {  	[sflag:s3] =	ssyncset.done $0x0  }
0xaa: {  	[sflag:s3] =	ssyncadd.s32 $0xFFFFFF80  }
0xab: {  	[tilespmem:s9], [sflag:$0x2] =	stream.indirect.gather [spmem:s2], $0x80, s31, s30, $0xb8;
	[tilespmem:$0x12200] =	vst v63  }
0xac: {  	s20 =	sadd.s32 $0xA0, s11;
	s28 =	sadd.s32 $0x90, s17;
	_ =	swait.ge [sflag:s8], $0x4000  }
0xad: {  	s11 =	sadd.s32 $0x90, s11;
	s21 =	sand.u32 $0x50, s28;
	[sflag:s8] =	ssyncset.done $0x0  }
0xae: {  	s11 =	sand.u32 $0xFFFFF80, s11;
	s21 =	sadd.s32 s1, s21;
	[sflag:s8] =	ssyncadd.s32 $0xFFFFC000  }
0xaf: {  	[hbm4b:s19+s4] =	stream.linear.scatter [tilespmem:s7], [sflag:$0x3], $0x4000, $0x38;
	[tilespmem:$0x12200] =	vst v63  }
0xb0: {  	p0 =	sne.s32 s14, $0x3140;
	s11 =	sadd.s32 s11, s21  }
0xb1: {  	[tilespmem:s30], [sflag:$0x1] =	stream.linear.gather [hbm4b:s11+s4], $0x80, $0x38;
	[tilespmem:$0x12200] =	vst v63  }
.Ltmp0:
0xb2: {  	_ =	swait.ge [sflag:s12], $0x4000;
	(pc) =	sbr.rel @p0 .LBB2_2-.Ltmp0, $4  }
0xb3: {  	[sflag:s12] =	ssyncset.done $0x0  }
0xb4: {  	s14 =	sadd.s32 $0x40, s14;
	[sflag:s12] =	ssyncadd.s32 $0xFFFFC000  }
0xb5: {  	s22 =	smov.u32 s18;
	s18 =	sadd.s32 $0x2000, s18;
	_ =	swait.ge [sflag:s3], $0x80  }
0xb6: {  	s16 =	sadd.s32 $0x2000, s16;
	s19 =	sadd.s32 $0x2000, s19;
	[sflag:s3] =	ssyncset.done $0x0  }
0xb7: {  	[sflag:s3] =	ssyncadd.s32 $0xFFFFFF80  }
0xb8: {  	[tilespmem:s10], [sflag:$0x2] =	stream.indirect.gather [spmem:s2], $0x80, s0, s30, $0xb8;
	[tilespmem:$0x12200] =	vst v63  }
0xb9: {  	s11 =	sadd.s32 $0xA0, s17;
	_ =	swait.ge [sflag:s8], $0x4000  }
0xba: {  	s11 =	sand.u32 $0x60, s11;
	[sflag:s8] =	ssyncset.done $0x0  }
0xbb: {  	s14 =	sand.u32 $0xFFFFF80, s20;
	s11 =	sadd.s32 s1, s11;
	[sflag:s8] =	ssyncadd.s32 $0xFFFFC000  }
0xbc: {  	[hbm4b:s22+s4] =	stream.linear.scatter [tilespmem:s9], [sflag:$0x3], $0x4000, $0x38;
	[tilespmem:$0x12200] =	vst v63  }
0xbd: {  	s11 =	sadd.s32 s14, s11  }
0xbe: {  	[tilespmem:s31], [sflag:$0x1] =	stream.linear.gather [hbm4b:s11+s4], $0x80, $0x38;
	[tilespmem:$0x12200] =	vst v63  }
0xbf: {  	_ =	swait.ge [sflag:s12], $0x4000  }
0xc0: {  	[sflag:s12] =	ssyncset.done $0x0  }
0xc1: {  	[sflag:s12] =	ssyncadd.s32 $0xFFFFC000  }
0xc2: {  	_ =	swait.ge [sflag:s3], $0x80  }
0xc3: {  	[sflag:s3] =	ssyncset.done $0x0  }
0xc4: {  	[sflag:s3] =	ssyncadd.s32 $0xFFFFFF80  }
0xc5: {  	[tilespmem:s5], [sflag:$0x2] =	stream.indirect.gather [spmem:s2], $0x80, s4, s30, $0xb8;
	[tilespmem:$0x12200] =	vst v63  }
0xc6: {  	_ =	swait.ge [sflag:s8], $0x4000  }
0xc7: {  	[sflag:s8] =	ssyncset.done $0x0  }
0xc8: {  	s19 =	rddreg [dreg:$0xf];
	[sflag:s8] =	ssyncadd.s32 $0xFFFFC000  }
0xc9: {  	[hbm4b:s19+s4] =	stream.linear.scatter [tilespmem:s10], [sflag:$0x3], $0x4000, $0x38;
	[tilespmem:$0x12200] =	vst v63  }
0xca: {  	s20 =	rddreg [dreg:$0x10]  }
0xcb: {  	[tilespmem:s0], [sflag:$0x1] =	stream.linear.gather [hbm4b:s20+s4], $0x80, $0x38;
	[tilespmem:$0x12200] =	vst v63  }
0xcc: {  	_ =	swait.ge [sflag:s12], $0x4000  }
0xcd: {  	[sflag:s12] =	ssyncset.done $0x0  }
0xce: {  	[sflag:s12] =	ssyncadd.s32 $0xFFFFC000  }
0xcf: {  	_ =	swait.ge [sflag:s3], $0x80  }
0xd0: {  	[sflag:s3] =	ssyncset.done $0x0  }
0xd1: {  	[sflag:s3] =	ssyncadd.s32 $0xFFFFFF80  }
0xd2: {  	[tilespmem:s7], [sflag:$0x2] =	stream.indirect.gather [spmem:s2], $0x80, s30, s30, $0xb8;
	[tilespmem:$0x12200] =	vst v63  }
0xd3: {  	_ =	swait.ge [sflag:s8], $0x4000  }
0xd4: {  	[sflag:s8] =	ssyncset.done $0x0  }
0xd5: {  	s21 =	rddreg [dreg:$0x11];
	[sflag:s8] =	ssyncadd.s32 $0xFFFFC000  }
0xd6: {  	[hbm4b:s21+s4] =	stream.linear.scatter [tilespmem:s5], [sflag:$0x3], $0x4000, $0x38;
	[tilespmem:$0x12200] =	vst v63  }
0xd7: {  	_ =	swait.ge [sflag:s12], $0x4000  }
0xd8: {  	[sflag:s12] =	ssyncset.done $0x0  }
0xd9: {  	[sflag:s12] =	ssyncadd.s32 $0xFFFFC000  }
0xda: {  	_ =	swait.ge [sflag:s3], $0x80  }
0xdb: {  	[sflag:s3] =	ssyncset.done $0x0  }
0xdc: {  	[sflag:s3] =	ssyncadd.s32 $0xFFFFFF80  }
0xdd: {  	[tilespmem:s9], [sflag:$0x2] =	stream.indirect.gather [spmem:s2], $0x80, s31, s30, $0xb8;
	[tilespmem:$0x12200] =	vst v63  }
0xde: {  	_ =	swait.ge [sflag:s8], $0x4000  }
0xdf: {  	[sflag:s8] =	ssyncset.done $0x0  }
0xe0: {  	s22 =	rddreg [dreg:$0x13];
	[sflag:s8] =	ssyncadd.s32 $0xFFFFC000  }
0xe1: {  	[hbm4b:s22+s4] =	stream.linear.scatter [tilespmem:s7], [sflag:$0x3], $0x4000, $0x38;
	[tilespmem:$0x12200] =	vst v63  }
0xe2: {  	_ =	swait.ge [sflag:s12], $0x4000  }
0xe3: {  	[sflag:s12] =	ssyncset.done $0x0  }
0xe4: {  	[sflag:s12] =	ssyncadd.s32 $0xFFFFC000  }
0xe5: {  	_ =	swait.ge [sflag:s3], $0x80  }
0xe6: {  	[sflag:s3] =	ssyncset.done $0x0  }
0xe7: {  	[sflag:s3] =	ssyncadd.s32 $0xFFFFFF80  }
0xe8: {  	[tilespmem:s10], [sflag:$0x2] =	stream.indirect.gather [spmem:s2], $0x80, s0, s30, $0xb8;
	[tilespmem:$0x12200] =	vst v63  }
0xe9: {  	_ =	swait.ge [sflag:s8], $0x4000  }
0xea: {  	[sflag:s8] =	ssyncset.done $0x0  }
0xeb: {  	s25 =	rddreg [dreg:$0x14];
	[sflag:s8] =	ssyncadd.s32 $0xFFFFC000  }
0xec: {  	[hbm4b:s25+s4] =	stream.linear.scatter [tilespmem:s9], [sflag:$0x3], $0x4000, $0x38;
	[tilespmem:$0x12200] =	vst v63  }
0xed: {  	_ =	swait.ge [sflag:s12], $0x4000  }
0xee: {  	[sflag:s12] =	ssyncset.done $0x0  }
0xef: {  	[sflag:s12] =	ssyncadd.s32 $0xFFFFC000  }
0xf0: {  	_ =	swait.ge [sflag:s8], $0x4000  }
0xf1: {  	[sflag:s8] =	ssyncset.done $0x0  }
0xf2: {  	s26 =	rddreg [dreg:$0x12];
	[sflag:s8] =	ssyncadd.s32 $0xFFFFC000  }
0xf3: {  	[hbm4b:s26+s4] =	stream.linear.scatter [tilespmem:s10], [sflag:$0x3], $0x4000, $0x38;
	[tilespmem:$0x12200] =	vst v63  }
0xf4: {  	_ =	swait.ge [sflag:s12], $0x4000  }
0xf5: {  	[sflag:s12] =	ssyncset.done $0x0  }
0xf6: {  	[sflag:s12] =	ssyncadd.s32 $0xFFFFC000  }
0xf7: {  	_ =	swait.ge [sflag:s12], $0x4000  }
0xf8: {  	[sflag:s12] =	ssyncset.done $0x0  }
0xf9: {  	[sflag:s12] =	ssyncadd.s32 $0xFFFFC000  }
0xfa: {  	_ =	swait.ge [sflag:s12], $0x4000  }
0xfb: {  	s13 =	sadd.s32 $0x1, s13;
	s28 =	rddreg [dreg:$0x15]  }
0xfc: {  	p0 =	sne.s32 s13, s28  }
.Ltmp1:
0xfd: {  	_ = 	snop;
	(pc) =	sbr.rel @p0 .LBB2_1-.Ltmp1, $3  }
0xfe: {  	_ =	sdelay $0x1  }
0xff: {  	[sflag:s12] =	ssyncset.done $0x0  }
0x100: {  	[sflag:s12] =	ssyncadd.s32 $0xFFFFC000  }
0x101: {  	_ =	sfence.sel $0x180000  }
0x102: {  	[bflag:$0x0] =	sbarrier.arrive $0xFFFF  }
0x103: {  	_ =	strace $0x90000047  }
0x104: {  	s0 =	stileid.u32;
	[bflag:$0x2] =	sbarrier.arrive $0xFFFF  }
0x105: {  	p0 =	sne.s32 s0, $0x0;
	s0 =	rddreg [dreg:$0x4]  }
0x106: {  	s0 =	sadd.s32 @!p0 $0x100000, s0  }
0x107: {  	[sflag:s0] =	ssyncadd.tile.s32 @!p0 $0x1;
	_ =	shalt  }
.Lfunc_end2:
_tile_overlayer_lowered:
.L_overlay_start_2:
0x108: {  	(tag) =	ssettag $0x2  }
0x109: {  	s0 =	rddreg [dreg:$0x0];
	s2 =	stileid.u32  }
0x10a: {  	s1 =	rddreg [dreg:$0x1];
	p0 =	sne.s32 s2, $0x0  }
0x10b: {  	s3 =	rddreg [dreg:$0x2];
	[bflag:$0x3] =	sbarrier.arrive $0xFFFF;
	s2 =	simm.s32 @!p0 $0x1C04  }
0x10c: {  	[timem:s3], [sflag:s2] =	dma.local @!p0 [hbm:s0], s1  }
0x10d: {  	s0 =	simm.s32 @!p0 $0x4  }
0x10e: {  	_ =	swait.ge @!p0 [sflag:s0], s1  }
0x10f: {  	s1 =	ssub.s32 @!p0 $0x0, s1;
	[sflag:s0] =	ssyncset.done @!p0 $0x0  }
0x110: {  	[sflag:s0] =	ssyncadd.s32 @!p0 s1  }
0x111: {  	[bflag:$0x3] =	sbarrier.arrive $0xFFFF  }
0x112: {  	_ =	shalt  }

</sc_bundles>
